<compile_context>
chip_gen: v7x
topology: tpu7x:2x2x1
jax: 0.10.2.dev20260603
libtpu: 0.0.44.dev20260713+nightly
codegen_flags: <defaults>
</compile_context>

<pallas_src>
import functools

import jax
import jax.numpy as jnp
from jax import lax
from jax.experimental import pallas as pl
from jax.experimental.pallas import tpu as pltpu
from jax.experimental.pallas import tpu_sc as plsc

NC = 2
NS = 16
NW = NC * NS
CHUNK = 40
D = 300
DPAD = 384
LANES = 16


def _pad_body(x_ref, o_ref):
    o_ref[...] = x_ref[...]


@functools.lru_cache(maxsize=None)
def _make_pad(vocab):
    blk = 5000
    return pl.pallas_call(
        _pad_body,
        out_shape=jax.ShapeDtypeStruct((vocab, DPAD), jnp.float32),
        grid=(vocab // blk, DPAD // 128),
        in_specs=[pl.BlockSpec((blk, 128), lambda i, j: (i, j))],
        out_specs=pl.BlockSpec((blk, 128), lambda i, j: (i, j)),
    )


def _body(table_hbm, idx_hbm, out_hbm, idx_v, rows_v, pack_v, gsem, osem):
    nch = idx_hbm.shape[1]
    seq = out_hbm.shape[1]
    cpb = seq // CHUNK
    bpw = nch // cpb
    wid = lax.axis_index("s") * NC + lax.axis_index("c")
    pltpu.sync_copy(idx_hbm.at[wid], idx_v)

    def out_slice(j):
        b = wid * bpw + lax.div(j, cpb)
        s0 = lax.rem(j, cpb) * CHUNK
        return out_hbm.at[b, pl.ds(s0, CHUNK)]

    def fire_gather(j, slot):
        pltpu.async_copy(table_hbm.at[idx_v.at[j]], rows_v.at[slot],
                         gsem.at[slot])

    def wait_gather(slot):
        pltpu.make_async_copy(table_hbm.at[pl.ds(0, CHUNK)], rows_v.at[slot],
                              gsem.at[slot]).wait()

    def fire_out(j, slot):
        pltpu.async_copy(pack_v.at[slot], out_slice(j), osem.at[slot])

    def wait_out(slot):
        pltpu.make_async_copy(pack_v.at[slot], out_hbm.at[0, pl.ds(0, CHUNK)],
                              osem.at[slot]).wait()

    def repack(slot):
        def row(r, carry):
            for k in range(D // LANES):
                pack_v[slot, r, pl.ds(k * LANES, LANES)] = (
                    rows_v[slot, r, pl.ds(k * LANES, LANES)])
            pack_v[slot, r, pl.ds(D - LANES, LANES)] = (
                rows_v[slot, r, pl.ds(D - LANES, LANES)])
            return carry
        lax.fori_loop(0, CHUNK, row, 0)

    fire_gather(0, 0)
    fire_gather(1, 1)

    def step(j, carry):
        slot = lax.rem(j, 2)

        @pl.when(j >= 2)
        def _():
            wait_out(slot)
        wait_gather(slot)
        repack(slot)

        @pl.when(j + 2 < nch)
        def _():
            fire_gather(j + 2, slot)
        fire_out(j, slot)
        return carry

    lax.fori_loop(0, nch, step, 0)
    wait_out(0)
    wait_out(1)


@functools.lru_cache(maxsize=None)
def _make(batch, seq, nch):
    mesh = plsc.VectorSubcoreMesh(core_axis_name="c", subcore_axis_name="s")
    return pl.kernel(
        _body,
        out_type=jax.ShapeDtypeStruct((batch, seq, D), jnp.float32),
        mesh=mesh,
        scratch_types=[
            pltpu.VMEM((nch, CHUNK), jnp.int32),
            pltpu.VMEM((2, CHUNK, DPAD), jnp.float32),
            pltpu.VMEM((2, CHUNK, D), jnp.float32),
            pltpu.SemaphoreType.DMA((2,)),
            pltpu.SemaphoreType.DMA((2,)),
        ],
    )


def kernel(word_input, table):
    b, s = word_input.shape
    vocab, d = table.shape
    idx = word_input.reshape(-1).astype(jnp.int32)
    total = b * s
    per_w = total // NW
    nch = per_w // CHUNK
    idx3 = idx.reshape(NW, nch, CHUNK)
    tab_pad = _make_pad(vocab)(table)
    return _make(b, s, nch)(tab_pad, idx3)

# --- scband reference (transcript-rebuilt; emitter-appended) ---
"""Pipeline reference for scband-word-rep-26620207300851 (READ-ONLY COPY).

The authoritative reference and input builder live on the scoring server;
editing this copy changes nothing except your own understanding.
"""

import jax, jax.numpy as jnp
import numpy as np

VOCAB = 100000
EMB_DIM = 300
BATCH = 1024
SEQ = 200

def setup_inputs(seed: int = 0) -> dict:
    key = jax.random.key(seed)
    k1, k2 = jax.random.split(key)
    word_input = jax.random.randint(k1, (BATCH, SEQ), 0, VOCAB, dtype=jnp.int64 if jax.config.jax_enable_x64 else jnp.int32)
    table = jax.random.normal(k2, (VOCAB, EMB_DIM), dtype=jnp.float32)
    return {"word_input": word_input, "table": table}

def reference(word_input, table):
    # word_embs = self.word_embedding(word_input)
    word_embs = jnp.take(table, word_input, axis=0)
    # dropout is identity in eval / deterministic mode
    word_represent = word_embs
    return word_represent

if __name__ == "__main__":
    import jax
    _d = setup_inputs()
    print(jax.jit(kernel)(*tuple(_d.values())))

</pallas_src>

<mosaic_0001>
#map = affine_map<(d0, d1) -> (0, 0)>
#map1 = affine_map<(d0, d1) -> (0, 0, 0)>
module attributes {stable_mosaic.version = 14 : i64} {
  func.func @_body(%arg0: i32, %arg1: i32, %arg2: memref<100000x384xf32, #tpu.memory_space<hbm>>, %arg3: memref<32x160x40xi32, #tpu.memory_space<hbm>>, %arg4: memref<1024x200x300xf32, #tpu.memory_space<hbm>>, %arg5: memref<160x40xi32, #tpu.memory_space<vmem>>, %arg6: memref<2x40x384xf32, #tpu.memory_space<vmem>>, %arg7: memref<2x40x300xf32, #tpu.memory_space<vmem>>, %arg8: memref<2x!tpu.dma_semaphore, #tpu.memory_space<semaphore_mem>>, %arg9: memref<2x!tpu.dma_semaphore, #tpu.memory_space<semaphore_mem>>) attributes {dimension_semantics = [#tpu.dimension_semantics<core_parallel>, #tpu.dimension_semantics<subcore_parallel>], iteration_bounds = array<i64: 2, 16>, scalar_prefetch = 0 : i64, scratch_operands = 5 : i64, tpu.core_type = #tpu.core_type<sc_vector_subcore>, window_params = [{transform_indices = #map}, {transform_indices = #map1}, {transform_indices = #map1}]} {
    %mul3A = arith.constant 2 : i32
    %mul3A_0 = arith.muli %arg1, %mul3A : i32
    %add3A = arith.addi %mul3A_0, %arg0 : i32
    "tpu.region"() ({
      %run_scoped3A = tpu.sem_alloc : memref<!tpu.dma_semaphore, #tpu.memory_space<semaphore_mem>>
      %dma_start3A_76 = arith.constant 0 : i32
      %dma_start3A_77 = arith.constant 0 : i32
      %dma_start3A_78 = tpu.memref_slice %arg3[%add3A, %dma_start3A_76, %dma_start3A_77] : memref<32x160x40xi32, #tpu.memory_space<hbm>> -> memref<1x160x40xi32, #tpu.memory_space<hbm>>
      %dma_start3A_79 = tpu.memref_squeeze %dma_start3A_78 : memref<1x160x40xi32, #tpu.memory_space<hbm>> -> memref<160x40xi32, #tpu.memory_space<hbm>>
      %dma_start3A_80 = arith.constant 0 : i32
      %dma_start3A_81 = arith.constant 0 : i32
      %dma_start3A_82 = tpu.memref_slice %arg3[%add3A, %dma_start3A_80, %dma_start3A_81] : memref<32x160x40xi32, #tpu.memory_space<hbm>> -> memref<1x160x40xi32, #tpu.memory_space<hbm>>
      %dma_start3A_83 = tpu.memref_squeeze %dma_start3A_82 : memref<1x160x40xi32, #tpu.memory_space<hbm>> -> memref<160x40xi32, #tpu.memory_space<hbm>>
      tpu.enqueue_dma source(%dma_start3A_83 : memref<160x40xi32, #tpu.memory_space<hbm>>) target(%arg5 : memref<160x40xi32, #tpu.memory_space<vmem>>) target_semaphore(%run_scoped3A : memref<!tpu.dma_semaphore, #tpu.memory_space<semaphore_mem>>)
      %dma_wait3A_84 = arith.constant 0 : i32
      %dma_wait3A_85 = arith.constant 0 : i32
      %dma_wait3A_86 = tpu.memref_slice %arg3[%add3A, %dma_wait3A_84, %dma_wait3A_85] : memref<32x160x40xi32, #tpu.memory_space<hbm>> -> memref<1x160x40xi32, #tpu.memory_space<hbm>>
      %dma_wait3A_87 = tpu.memref_squeeze %dma_wait3A_86 : memref<1x160x40xi32, #tpu.memory_space<hbm>> -> memref<160x40xi32, #tpu.memory_space<hbm>>
      %dma_wait3A_88 = arith.constant 0 : i32
      %dma_wait3A_89 = arith.constant 0 : i32
      %dma_wait3A_90 = tpu.memref_slice %arg3[%add3A, %dma_wait3A_88, %dma_wait3A_89] : memref<32x160x40xi32, #tpu.memory_space<hbm>> -> memref<1x160x40xi32, #tpu.memory_space<hbm>>
      %dma_wait3A_91 = tpu.memref_squeeze %dma_wait3A_90 : memref<1x160x40xi32, #tpu.memory_space<hbm>> -> memref<160x40xi32, #tpu.memory_space<hbm>>
      tpu.wait_dma2 semaphore(%run_scoped3A : memref<!tpu.dma_semaphore, #tpu.memory_space<semaphore_mem>>) src(%dma_wait3A_91 : memref<160x40xi32, #tpu.memory_space<hbm>>) dst(%arg5 : memref<160x40xi32, #tpu.memory_space<vmem>>)
      tpu.yield
    }) : () -> ()
    %dma_start3A = arith.constant 0 : i32
    %dma_start3A_1 = arith.constant 0 : i32
    %dma_start3A_2 = arith.constant 0 : i32
    %dma_start3A_3 = arith.constant 0 : i32
    %dma_start3A_4 = arith.constant 0 : i32
    %dma_start3A_5 = tpu.memref_slice %arg6[%dma_start3A_1, %dma_start3A_3, %dma_start3A_4] : memref<2x40x384xf32, #tpu.memory_space<vmem>> -> memref<1x40x384xf32, #tpu.memory_space<vmem>>
    %dma_start3A_6 = tpu.memref_squeeze %dma_start3A_5 : memref<1x40x384xf32, #tpu.memory_space<vmem>> -> memref<40x384xf32, #tpu.memory_space<vmem>>
    %dma_start3A_7 = arith.constant 0 : i32
    %dma_start3A_8 = tpu.memref_slice %arg5[%dma_start3A, %dma_start3A_7] : memref<160x40xi32, #tpu.memory_space<vmem>> -> memref<1x40xi32, #tpu.memory_space<vmem>>
    %dma_start3A_9 = tpu.memref_squeeze %dma_start3A_8 : memref<1x40xi32, #tpu.memory_space<vmem>> -> memref<40xi32, #tpu.memory_space<vmem>>
    %dma_start3A_10 = arith.constant 0 : i32
    %dma_start3A_11 = arith.constant 0 : i32
    %dma_start3A_12 = tpu.memref_slice %arg2[%dma_start3A_10, %dma_start3A_11] : memref<100000x384xf32, #tpu.memory_space<hbm>> -> memref<100000x384xf32, #tpu.memory_space<hbm>>
    %dma_start3A_13 = tpu.memref_slice %arg8[%dma_start3A_2] : memref<2x!tpu.dma_semaphore, #tpu.memory_space<semaphore_mem>> -> memref<1x!tpu.dma_semaphore, #tpu.memory_space<semaphore_mem>>
    %dma_start3A_14 = tpu.memref_squeeze %dma_start3A_13 : memref<1x!tpu.dma_semaphore, #tpu.memory_space<semaphore_mem>> -> memref<!tpu.dma_semaphore, #tpu.memory_space<semaphore_mem>>
    tpu.enqueue_indirect_dma source(%dma_start3A_12 : memref<100000x384xf32, #tpu.memory_space<hbm>>) target(%dma_start3A_6 : memref<40x384xf32, #tpu.memory_space<vmem>>) offsets(%dma_start3A_9 : memref<40xi32, #tpu.memory_space<vmem>>) semaphore(%dma_start3A_14 : memref<!tpu.dma_semaphore, #tpu.memory_space<semaphore_mem>>)
    %dma_start3A_15 = arith.constant 1 : i32
    %dma_start3A_16 = arith.constant 1 : i32
    %dma_start3A_17 = arith.constant 1 : i32
    %dma_start3A_18 = arith.constant 0 : i32
    %dma_start3A_19 = arith.constant 0 : i32
    %dma_start3A_20 = tpu.memref_slice %arg6[%dma_start3A_16, %dma_start3A_18, %dma_start3A_19] : memref<2x40x384xf32, #tpu.memory_space<vmem>> -> memref<1x40x384xf32, #tpu.memory_space<vmem>>
    %dma_start3A_21 = tpu.memref_squeeze %dma_start3A_20 : memref<1x40x384xf32, #tpu.memory_space<vmem>> -> memref<40x384xf32, #tpu.memory_space<vmem>>
    %dma_start3A_22 = arith.constant 0 : i32
    %dma_start3A_23 = tpu.memref_slice %arg5[%dma_start3A_15, %dma_start3A_22] : memref<160x40xi32, #tpu.memory_space<vmem>> -> memref<1x40xi32, #tpu.memory_space<vmem>>
    %dma_start3A_24 = tpu.memref_squeeze %dma_start3A_23 : memref<1x40xi32, #tpu.memory_space<vmem>> -> memref<40xi32, #tpu.memory_space<vmem>>
    %dma_start3A_25 = arith.constant 0 : i32
    %dma_start3A_26 = arith.constant 0 : i32
    %dma_start3A_27 = tpu.memref_slice %arg2[%dma_start3A_25, %dma_start3A_26] : memref<100000x384xf32, #tpu.memory_space<hbm>> -> memref<100000x384xf32, #tpu.memory_space<hbm>>
    %dma_start3A_28 = tpu.memref_slice %arg8[%dma_start3A_17] : memref<2x!tpu.dma_semaphore, #tpu.memory_space<semaphore_mem>> -> memref<1x!tpu.dma_semaphore, #tpu.memory_space<semaphore_mem>>
    %dma_start3A_29 = tpu.memref_squeeze %dma_start3A_28 : memref<1x!tpu.dma_semaphore, #tpu.memory_space<semaphore_mem>> -> memref<!tpu.dma_semaphore, #tpu.memory_space<semaphore_mem>>
    tpu.enqueue_indirect_dma source(%dma_start3A_27 : memref<100000x384xf32, #tpu.memory_space<hbm>>) target(%dma_start3A_21 : memref<40x384xf32, #tpu.memory_space<vmem>>) offsets(%dma_start3A_24 : memref<40xi32, #tpu.memory_space<vmem>>) semaphore(%dma_start3A_29 : memref<!tpu.dma_semaphore, #tpu.memory_space<semaphore_mem>>)
    %scan3A = arith.constant 0 : i32
    %scan3A_30 = arith.constant 0 : i32
    %scan3A_31 = arith.constant 160 : i32
    %scan3A_32 = arith.addi %scan3A_30, %scan3A_31 : i32
    %scan3A_33 = arith.constant 1 : i32
    scf.for %scan3A_76 = %scan3A_30 to %scan3A_32 step %scan3A_33  : i32 {
      %rem3A = arith.constant 2 : i32
      %rem3A_77 = arith.remsi %scan3A_76, %rem3A : i32
      %ge3A = arith.constant 2 : i32
      %ge3A_78 = arith.cmpi sge, %scan3A_76, %ge3A : i32
      %convert_element_type3A = arith.extui %ge3A_78 : i1 to i32
      %cond3A = arith.constant 0 : i32
      %cond3A_79 = arith.cmpi ne, %convert_element_type3A, %cond3A : i32
      scf.if %cond3A_79 {
        %dma_wait3A_132 = arith.constant 0 : i32
        %dma_wait3A_133 = arith.constant 0 : i32
        %dma_wait3A_134 = arith.constant 0 : i32
        %dma_wait3A_135 = tpu.memref_slice %arg7[%rem3A_77, %dma_wait3A_133, %dma_wait3A_134] : memref<2x40x300xf32, #tpu.memory_space<vmem>> -> memref<1x40x300xf32, #tpu.memory_space<vmem>>
        %dma_wait3A_136 = tpu.memref_squeeze %dma_wait3A_135 : memref<1x40x300xf32, #tpu.memory_space<vmem>> -> memref<40x300xf32, #tpu.memory_space<vmem>>
        %dma_wait3A_137 = arith.constant 0 : i32
        %dma_wait3A_138 = arith.constant 0 : i32
        %dma_wait3A_139 = tpu.memref_slice %arg4[%dma_wait3A_132, %dma_wait3A_137, %dma_wait3A_138] : memref<1024x200x300xf32, #tpu.memory_space<hbm>> -> memref<1x40x300xf32, #tpu.memory_space<hbm>>
        %dma_wait3A_140 = tpu.memref_squeeze %dma_wait3A_139 : memref<1x40x300xf32, #tpu.memory_space<hbm>> -> memref<40x300xf32, #tpu.memory_space<hbm>>
        %dma_wait3A_141 = tpu.memref_slice %arg9[%rem3A_77] : memref<2x!tpu.dma_semaphore, #tpu.memory_space<semaphore_mem>> -> memref<1x!tpu.dma_semaphore, #tpu.memory_space<semaphore_mem>>
        %dma_wait3A_142 = tpu.memref_squeeze %dma_wait3A_141 : memref<1x!tpu.dma_semaphore, #tpu.memory_space<semaphore_mem>> -> memref<!tpu.dma_semaphore, #tpu.memory_space<semaphore_mem>>
        %dma_wait3A_143 = arith.constant 0 : i32
        %dma_wait3A_144 = arith.constant 0 : i32
        %dma_wait3A_145 = tpu.memref_slice %arg4[%dma_wait3A_132, %dma_wait3A_143, %dma_wait3A_144] : memref<1024x200x300xf32, #tpu.memory_space<hbm>> -> memref<1x40x300xf32, #tpu.memory_space<hbm>>
        %dma_wait3A_146 = tpu.memref_squeeze %dma_wait3A_145 : memref<1x40x300xf32, #tpu.memory_space<hbm>> -> memref<40x300xf32, #tpu.memory_space<hbm>>
        %dma_wait3A_147 = arith.constant 0 : i32
        %dma_wait3A_148 = arith.constant 0 : i32
        %dma_wait3A_149 = tpu.memref_slice %arg7[%rem3A_77, %dma_wait3A_147, %dma_wait3A_148] : memref<2x40x300xf32, #tpu.memory_space<vmem>> -> memref<1x40x300xf32, #tpu.memory_space<vmem>>
        %dma_wait3A_150 = tpu.memref_squeeze %dma_wait3A_149 : memref<1x40x300xf32, #tpu.memory_space<vmem>> -> memref<40x300xf32, #tpu.memory_space<vmem>>
        tpu.wait_dma2 semaphore(%dma_wait3A_142 : memref<!tpu.dma_semaphore, #tpu.memory_space<semaphore_mem>>) src(%dma_wait3A_150 : memref<40x300xf32, #tpu.memory_space<vmem>>) dst(%dma_wait3A_146 : memref<40x300xf32, #tpu.memory_space<hbm>>)
      } else {
      }
      %dma_wait3A_80 = arith.constant 0 : i32
      %dma_wait3A_81 = arith.constant 0 : i32
      %dma_wait3A_82 = tpu.memref_slice %arg6[%rem3A_77, %dma_wait3A_80, %dma_wait3A_81] : memref<2x40x384xf32, #tpu.memory_space<vmem>> -> memref<1x40x384xf32, #tpu.memory_space<vmem>>
      %dma_wait3A_83 = tpu.memref_squeeze %dma_wait3A_82 : memref<1x40x384xf32, #tpu.memory_space<vmem>> -> memref<40x384xf32, #tpu.memory_space<vmem>>
      %dma_wait3A_84 = arith.constant 0 : i32
      %dma_wait3A_85 = arith.constant 0 : i32
      %dma_wait3A_86 = tpu.memref_slice %arg2[%dma_wait3A_84, %dma_wait3A_85] : memref<100000x384xf32, #tpu.memory_space<hbm>> -> memref<40x384xf32, #tpu.memory_space<hbm>>
      %dma_wait3A_87 = tpu.memref_slice %arg8[%rem3A_77] : memref<2x!tpu.dma_semaphore, #tpu.memory_space<semaphore_mem>> -> memref<1x!tpu.dma_semaphore, #tpu.memory_space<semaphore_mem>>
      %dma_wait3A_88 = tpu.memref_squeeze %dma_wait3A_87 : memref<1x!tpu.dma_semaphore, #tpu.memory_space<semaphore_mem>> -> memref<!tpu.dma_semaphore, #tpu.memory_space<semaphore_mem>>
      %dma_wait3A_89 = arith.constant 0 : i32
      %dma_wait3A_90 = arith.constant 0 : i32
      %dma_wait3A_91 = tpu.memref_slice %arg6[%rem3A_77, %dma_wait3A_89, %dma_wait3A_90] : memref<2x40x384xf32, #tpu.memory_space<vmem>> -> memref<1x40x384xf32, #tpu.memory_space<vmem>>
      %dma_wait3A_92 = tpu.memref_squeeze %dma_wait3A_91 : memref<1x40x384xf32, #tpu.memory_space<vmem>> -> memref<40x384xf32, #tpu.memory_space<vmem>>
      %dma_wait3A_93 = arith.constant 0 : i32
      %dma_wait3A_94 = arith.constant 0 : i32
      %dma_wait3A_95 = tpu.memref_slice %arg2[%dma_wait3A_93, %dma_wait3A_94] : memref<100000x384xf32, #tpu.memory_space<hbm>> -> memref<40x384xf32, #tpu.memory_space<hbm>>
      tpu.wait_dma2 semaphore(%dma_wait3A_88 : memref<!tpu.dma_semaphore, #tpu.memory_space<semaphore_mem>>) src(%dma_wait3A_95 : memref<40x384xf32, #tpu.memory_space<hbm>>) dst(%dma_wait3A_92 : memref<40x384xf32, #tpu.memory_space<vmem>>)
      %scan3A_96 = arith.constant 0 : i32
      %scan3A_97 = arith.constant 0 : i32
      %scan3A_98 = arith.constant 40 : i32
      %scan3A_99 = arith.addi %scan3A_97, %scan3A_98 : i32
      %scan3A_100 = arith.constant 1 : i32
      scf.for %scan3A_132 = %scan3A_97 to %scan3A_99 step %scan3A_100  : i32 {
        %get3A = arith.index_cast %rem3A_77 : i32 to index
        %get3A_133 = arith.index_cast %scan3A_132 : i32 to index
        %get3A_134 = arith.constant 0 : index
        %get3A_135 = tpu.vector_load %arg6[%get3A, %get3A_133, %get3A_134] {strides = array<i32>} : memref<2x40x384xf32, #tpu.memory_space<vmem>>, vector<1x1x16xf32>,
        %get3A_136 = vector.shape_cast %get3A_135 : vector<1x1x16xf32> to vector<16xf32>
        %swap3A = arith.index_cast %rem3A_77 : i32 to index
        %swap3A_137 = arith.index_cast %scan3A_132 : i32 to index
        %swap3A_138 = arith.constant 0 : index
        %swap3A_139 = tpu.vector_load %arg7[%swap3A, %swap3A_137, %swap3A_138] {strides = array<i32>} : memref<2x40x300xf32, #tpu.memory_space<vmem>>, vector<1x1x16xf32>,
        %swap3A_140 = vector.shape_cast %swap3A_139 : vector<1x1x16xf32> to vector<16xf32>
        %swap3A_141 = vector.shape_cast %get3A_136 : vector<16xf32> to vector<1x1x16xf32>
        tpu.vector_store %arg7[%swap3A, %swap3A_137, %swap3A_138], %swap3A_141 {strides = array<i32>} : memref<2x40x300xf32, #tpu.memory_space<vmem>>, vector<1x1x16xf32>,
        %get3A_142 = arith.index_cast %rem3A_77 : i32 to index
        %get3A_143 = arith.index_cast %scan3A_132 : i32 to index
        %get3A_144 = arith.constant 16 : index
        %get3A_145 = tpu.vector_load %arg6[%get3A_142, %get3A_143, %get3A_144] {strides = array<i32>} : memref<2x40x384xf32, #tpu.memory_space<vmem>>, vector<1x1x16xf32>,
        %get3A_146 = vector.shape_cast %get3A_145 : vector<1x1x16xf32> to vector<16xf32>
        %swap3A_147 = arith.index_cast %rem3A_77 : i32 to index
        %swap3A_148 = arith.index_cast %scan3A_132 : i32 to index
        %swap3A_149 = arith.constant 16 : index
        %swap3A_150 = tpu.vector_load %arg7[%swap3A_147, %swap3A_148, %swap3A_149] {strides = array<i32>} : memref<2x40x300xf32, #tpu.memory_space<vmem>>, vector<1x1x16xf32>,
        %swap3A_151 = vector.shape_cast %swap3A_150 : vector<1x1x16xf32> to vector<16xf32>
        %swap3A_152 = vector.shape_cast %get3A_146 : vector<16xf32> to vector<1x1x16xf32>
        tpu.vector_store %arg7[%swap3A_147, %swap3A_148, %swap3A_149], %swap3A_152 {strides = array<i32>} : memref<2x40x300xf32, #tpu.memory_space<vmem>>, vector<1x1x16xf32>,
        %get3A_153 = arith.index_cast %rem3A_77 : i32 to index
        %get3A_154 = arith.index_cast %scan3A_132 : i32 to index
        %get3A_155 = arith.constant 32 : index
        %get3A_156 = tpu.vector_load %arg6[%get3A_153, %get3A_154, %get3A_155] {strides = array<i32>} : memref<2x40x384xf32, #tpu.memory_space<vmem>>, vector<1x1x16xf32>,
        %get3A_157 = vector.shape_cast %get3A_156 : vector<1x1x16xf32> to vector<16xf32>
        %swap3A_158 = arith.index_cast %rem3A_77 : i32 to index
        %swap3A_159 = arith.index_cast %scan3A_132 : i32 to index
        %swap3A_160 = arith.constant 32 : index
        %swap3A_161 = tpu.vector_load %arg7[%swap3A_158, %swap3A_159, %swap3A_160] {strides = array<i32>} : memref<2x40x300xf32, #tpu.memory_space<vmem>>, vector<1x1x16xf32>,
        %swap3A_162 = vector.shape_cast %swap3A_161 : vector<1x1x16xf32> to vector<16xf32>
        %swap3A_163 = vector.shape_cast %get3A_157 : vector<16xf32> to vector<1x1x16xf32>
        tpu.vector_store %arg7[%swap3A_158, %swap3A_159, %swap3A_160], %swap3A_163 {strides = array<i32>} : memref<2x40x300xf32, #tpu.memory_space<vmem>>, vector<1x1x16xf32>,
        %get3A_164 = arith.index_cast %rem3A_77 : i32 to index
        %get3A_165 = arith.index_cast %scan3A_132 : i32 to index
        %get3A_166 = arith.constant 48 : index
        %get3A_167 = tpu.vector_load %arg6[%get3A_164, %get3A_165, %get3A_166] {strides = array<i32>} : memref<2x40x384xf32, #tpu.memory_space<vmem>>, vector<1x1x16xf32>,
        %get3A_168 = vector.shape_cast %get3A_167 : vector<1x1x16xf32> to vector<16xf32>
        %swap3A_169 = arith.index_cast %rem3A_77 : i32 to index
        %swap3A_170 = arith.index_cast %scan3A_132 : i32 to index
        %swap3A_171 = arith.constant 48 : index
        %swap3A_172 = tpu.vector_load %arg7[%swap3A_169, %swap3A_170, %swap3A_171] {strides = array<i32>} : memref<2x40x300xf32, #tpu.memory_space<vmem>>, vector<1x1x16xf32>,
        %swap3A_173 = vector.shape_cast %swap3A_172 : vector<1x1x16xf32> to vector<16xf32>
        %swap3A_174 = vector.shape_cast %get3A_168 : vector<16xf32> to vector<1x1x16xf32>
        tpu.vector_store %arg7[%swap3A_169, %swap3A_170, %swap3A_171], %swap3A_174 {strides = array<i32>} : memref<2x40x300xf32, #tpu.memory_space<vmem>>, vector<1x1x16xf32>,
        %get3A_175 = arith.index_cast %rem3A_77 : i32 to index
        %get3A_176 = arith.index_cast %scan3A_132 : i32 to index
        %get3A_177 = arith.constant 64 : index
        %get3A_178 = tpu.vector_load %arg6[%get3A_175, %get3A_176, %get3A_177] {strides = array<i32>} : memref<2x40x384xf32, #tpu.memory_space<vmem>>, vector<1x1x16xf32>,
        %get3A_179 = vector.shape_cast %get3A_178 : vector<1x1x16xf32> to vector<16xf32>
        %swap3A_180 = arith.index_cast %rem3A_77 : i32 to index
        %swap3A_181 = arith.index_cast %scan3A_132 : i32 to index
        %swap3A_182 = arith.constant 64 : index
        %swap3A_183 = tpu.vector_load %arg7[%swap3A_180, %swap3A_181, %swap3A_182] {strides = array<i32>} : memref<2x40x300xf32, #tpu.memory_space<vmem>>, vector<1x1x16xf32>,
        %swap3A_184 = vector.shape_cast %swap3A_183 : vector<1x1x16xf32> to vector<16xf32>
        %swap3A_185 = vector.shape_cast %get3A_179 : vector<16xf32> to vector<1x1x16xf32>
        tpu.vector_store %arg7[%swap3A_180, %swap3A_181, %swap3A_182], %swap3A_185 {strides = array<i32>} : memref<2x40x300xf32, #tpu.memory_space<vmem>>, vector<1x1x16xf32>,
        %get3A_186 = arith.index_cast %rem3A_77 : i32 to index
        %get3A_187 = arith.index_cast %scan3A_132 : i32 to index
        %get3A_188 = arith.constant 80 : index
        %get3A_189 = tpu.vector_load %arg6[%get3A_186, %get3A_187, %get3A_188] {strides = array<i32>} : memref<2x40x384xf32, #tpu.memory_space<vmem>>, vector<1x1x16xf32>,
        %get3A_190 = vector.shape_cast %get3A_189 : vector<1x1x16xf32> to vector<16xf32>
        %swap3A_191 = arith.index_cast %rem3A_77 : i32 to index
        %swap3A_192 = arith.index_cast %scan3A_132 : i32 to index
        %swap3A_193 = arith.constant 80 : index
        %swap3A_194 = tpu.vector_load %arg7[%swap3A_191, %swap3A_192, %swap3A_193] {strides = array<i32>} : memref<2x40x300xf32, #tpu.memory_space<vmem>>, vector<1x1x16xf32>,
        %swap3A_195 = vector.shape_cast %swap3A_194 : vector<1x1x16xf32> to vector<16xf32>
        %swap3A_196 = vector.shape_cast %get3A_190 : vector<16xf32> to vector<1x1x16xf32>
        tpu.vector_store %arg7[%swap3A_191, %swap3A_192, %swap3A_193], %swap3A_196 {strides = array<i32>} : memref<2x40x300xf32, #tpu.memory_space<vmem>>, vector<1x1x16xf32>,
        %get3A_197 = arith.index_cast %rem3A_77 : i32 to index
        %get3A_198 = arith.index_cast %scan3A_132 : i32 to index
        %get3A_199 = arith.constant 96 : index
        %get3A_200 = tpu.vector_load %arg6[%get3A_197, %get3A_198, %get3A_199] {strides = array<i32>} : memref<2x40x384xf32, #tpu.memory_space<vmem>>, vector<1x1x16xf32>,
        %get3A_201 = vector.shape_cast %get3A_200 : vector<1x1x16xf32> to vector<16xf32>
        %swap3A_202 = arith.index_cast %rem3A_77 : i32 to index
        %swap3A_203 = arith.index_cast %scan3A_132 : i32 to index
        %swap3A_204 = arith.constant 96 : index
        %swap3A_205 = tpu.vector_load %arg7[%swap3A_202, %swap3A_203, %swap3A_204] {strides = array<i32>} : memref<2x40x300xf32, #tpu.memory_space<vmem>>, vector<1x1x16xf32>,
        %swap3A_206 = vector.shape_cast %swap3A_205 : vector<1x1x16xf32> to vector<16xf32>
        %swap3A_207 = vector.shape_cast %get3A_201 : vector<16xf32> to vector<1x1x16xf32>
        tpu.vector_store %arg7[%swap3A_202, %swap3A_203, %swap3A_204], %swap3A_207 {strides = array<i32>} : memref<2x40x300xf32, #tpu.memory_space<vmem>>, vector<1x1x16xf32>,
        %get3A_208 = arith.index_cast %rem3A_77 : i32 to index
        %get3A_209 = arith.index_cast %scan3A_132 : i32 to index
        %get3A_210 = arith.constant 112 : index
        %get3A_211 = tpu.vector_load %arg6[%get3A_208, %get3A_209, %get3A_210] {strides = array<i32>} : memref<2x40x384xf32, #tpu.memory_space<vmem>>, vector<1x1x16xf32>,
        %get3A_212 = vector.shape_cast %get3A_211 : vector<1x1x16xf32> to vector<16xf32>
        %swap3A_213 = arith.index_cast %rem3A_77 : i32 to index
        %swap3A_214 = arith.index_cast %scan3A_132 : i32 to index
        %swap3A_215 = arith.constant 112 : index
        %swap3A_216 = tpu.vector_load %arg7[%swap3A_213, %swap3A_214, %swap3A_215] {strides = array<i32>} : memref<2x40x300xf32, #tpu.memory_space<vmem>>, vector<1x1x16xf32>,
        %swap3A_217 = vector.shape_cast %swap3A_216 : vector<1x1x16xf32> to vector<16xf32>
        %swap3A_218 = vector.shape_cast %get3A_212 : vector<16xf32> to vector<1x1x16xf32>
        tpu.vector_store %arg7[%swap3A_213, %swap3A_214, %swap3A_215], %swap3A_218 {strides = array<i32>} : memref<2x40x300xf32, #tpu.memory_space<vmem>>, vector<1x1x16xf32>,
        %get3A_219 = arith.index_cast %rem3A_77 : i32 to index
        %get3A_220 = arith.index_cast %scan3A_132 : i32 to index
        %get3A_221 = arith.constant 128 : index
        %get3A_222 = tpu.vector_load %arg6[%get3A_219, %get3A_220, %get3A_221] {strides = array<i32>} : memref<2x40x384xf32, #tpu.memory_space<vmem>>, vector<1x1x16xf32>,
        %get3A_223 = vector.shape_cast %get3A_222 : vector<1x1x16xf32> to vector<16xf32>
        %swap3A_224 = arith.index_cast %rem3A_77 : i32 to index
        %swap3A_225 = arith.index_cast %scan3A_132 : i32 to index
        %swap3A_226 = arith.constant 128 : index
        %swap3A_227 = tpu.vector_load %arg7[%swap3A_224, %swap3A_225, %swap3A_226] {strides = array<i32>} : memref<2x40x300xf32, #tpu.memory_space<vmem>>, vector<1x1x16xf32>,
        %swap3A_228 = vector.shape_cast %swap3A_227 : vector<1x1x16xf32> to vector<16xf32>
        %swap3A_229 = vector.shape_cast %get3A_223 : vector<16xf32> to vector<1x1x16xf32>
        tpu.vector_store %arg7[%swap3A_224, %swap3A_225, %swap3A_226], %swap3A_229 {strides = array<i32>} : memref<2x40x300xf32, #tpu.memory_space<vmem>>, vector<1x1x16xf32>,
        %get3A_230 = arith.index_cast %rem3A_77 : i32 to index
        %get3A_231 = arith.index_cast %scan3A_132 : i32 to index
        %get3A_232 = arith.constant 144 : index
        %get3A_233 = tpu.vector_load %arg6[%get3A_230, %get3A_231, %get3A_232] {strides = array<i32>} : memref<2x40x384xf32, #tpu.memory_space<vmem>>, vector<1x1x16xf32>,
        %get3A_234 = vector.shape_cast %get3A_233 : vector<1x1x16xf32> to vector<16xf32>
        %swap3A_235 = arith.index_cast %rem3A_77 : i32 to index
        %swap3A_236 = arith.index_cast %scan3A_132 : i32 to index
        %swap3A_237 = arith.constant 144 : index
        %swap3A_238 = tpu.vector_load %arg7[%swap3A_235, %swap3A_236, %swap3A_237] {strides = array<i32>} : memref<2x40x300xf32, #tpu.memory_space<vmem>>, vector<1x1x16xf32>,
        %swap3A_239 = vector.shape_cast %swap3A_238 : vector<1x1x16xf32> to vector<16xf32>
        %swap3A_240 = vector.shape_cast %get3A_234 : vector<16xf32> to vector<1x1x16xf32>
        tpu.vector_store %arg7[%swap3A_235, %swap3A_236, %swap3A_237], %swap3A_240 {strides = array<i32>} : memref<2x40x300xf32, #tpu.memory_space<vmem>>, vector<1x1x16xf32>,
        %get3A_241 = arith.index_cast %rem3A_77 : i32 to index
        %get3A_242 = arith.index_cast %scan3A_132 : i32 to index
        %get3A_243 = arith.constant 160 : index
        %get3A_244 = tpu.vector_load %arg6[%get3A_241, %get3A_242, %get3A_243] {strides = array<i32>} : memref<2x40x384xf32, #tpu.memory_space<vmem>>, vector<1x1x16xf32>,
        %get3A_245 = vector.shape_cast %get3A_244 : vector<1x1x16xf32> to vector<16xf32>
        %swap3A_246 = arith.index_cast %rem3A_77 : i32 to index
        %swap3A_247 = arith.index_cast %scan3A_132 : i32 to index
        %swap3A_248 = arith.constant 160 : index
        %swap3A_249 = tpu.vector_load %arg7[%swap3A_246, %swap3A_247, %swap3A_248] {strides = array<i32>} : memref<2x40x300xf32, #tpu.memory_space<vmem>>, vector<1x1x16xf32>,
        %swap3A_250 = vector.shape_cast %swap3A_249 : vector<1x1x16xf32> to vector<16xf32>
        %swap3A_251 = vector.shape_cast %get3A_245 : vector<16xf32> to vector<1x1x16xf32>
        tpu.vector_store %arg7[%swap3A_246, %swap3A_247, %swap3A_248], %swap3A_251 {strides = array<i32>} : memref<2x40x300xf32, #tpu.memory_space<vmem>>, vector<1x1x16xf32>,
        %get3A_252 = arith.index_cast %rem3A_77 : i32 to index
        %get3A_253 = arith.index_cast %scan3A_132 : i32 to index
        %get3A_254 = arith.constant 176 : index
        %get3A_255 = tpu.vector_load %arg6[%get3A_252, %get3A_253, %get3A_254] {strides = array<i32>} : memref<2x40x384xf32, #tpu.memory_space<vmem>>, vector<1x1x16xf32>,
        %get3A_256 = vector.shape_cast %get3A_255 : vector<1x1x16xf32> to vector<16xf32>
        %swap3A_257 = arith.index_cast %rem3A_77 : i32 to index
        %swap3A_258 = arith.index_cast %scan3A_132 : i32 to index
        %swap3A_259 = arith.constant 176 : index
        %swap3A_260 = tpu.vector_load %arg7[%swap3A_257, %swap3A_258, %swap3A_259] {strides = array<i32>} : memref<2x40x300xf32, #tpu.memory_space<vmem>>, vector<1x1x16xf32>,
        %swap3A_261 = vector.shape_cast %swap3A_260 : vector<1x1x16xf32> to vector<16xf32>
        %swap3A_262 = vector.shape_cast %get3A_256 : vector<16xf32> to vector<1x1x16xf32>
        tpu.vector_store %arg7[%swap3A_257, %swap3A_258, %swap3A_259], %swap3A_262 {strides = array<i32>} : memref<2x40x300xf32, #tpu.memory_space<vmem>>, vector<1x1x16xf32>,
        %get3A_263 = arith.index_cast %rem3A_77 : i32 to index
        %get3A_264 = arith.index_cast %scan3A_132 : i32 to index
        %get3A_265 = arith.constant 192 : index
        %get3A_266 = tpu.vector_load %arg6[%get3A_263, %get3A_264, %get3A_265] {strides = array<i32>} : memref<2x40x384xf32, #tpu.memory_space<vmem>>, vector<1x1x16xf32>,
        %get3A_267 = vector.shape_cast %get3A_266 : vector<1x1x16xf32> to vector<16xf32>
        %swap3A_268 = arith.index_cast %rem3A_77 : i32 to index
        %swap3A_269 = arith.index_cast %scan3A_132 : i32 to index
        %swap3A_270 = arith.constant 192 : index
        %swap3A_271 = tpu.vector_load %arg7[%swap3A_268, %swap3A_269, %swap3A_270] {strides = array<i32>} : memref<2x40x300xf32, #tpu.memory_space<vmem>>, vector<1x1x16xf32>,
        %swap3A_272 = vector.shape_cast %swap3A_271 : vector<1x1x16xf32> to vector<16xf32>
        %swap3A_273 = vector.shape_cast %get3A_267 : vector<16xf32> to vector<1x1x16xf32>
        tpu.vector_store %arg7[%swap3A_268, %swap3A_269, %swap3A_270], %swap3A_273 {strides = array<i32>} : memref<2x40x300xf32, #tpu.memory_space<vmem>>, vector<1x1x16xf32>,
        %get3A_274 = arith.index_cast %rem3A_77 : i32 to index
        %get3A_275 = arith.index_cast %scan3A_132 : i32 to index
        %get3A_276 = arith.constant 208 : index
        %get3A_277 = tpu.vector_load %arg6[%get3A_274, %get3A_275, %get3A_276] {strides = array<i32>} : memref<2x40x384xf32, #tpu.memory_space<vmem>>, vector<1x1x16xf32>,
        %get3A_278 = vector.shape_cast %get3A_277 : vector<1x1x16xf32> to vector<16xf32>
        %swap3A_279 = arith.index_cast %rem3A_77 : i32 to index
        %swap3A_280 = arith.index_cast %scan3A_132 : i32 to index
        %swap3A_281 = arith.constant 208 : index
        %swap3A_282 = tpu.vector_load %arg7[%swap3A_279, %swap3A_280, %swap3A_281] {strides = array<i32>} : memref<2x40x300xf32, #tpu.memory_space<vmem>>, vector<1x1x16xf32>,
        %swap3A_283 = vector.shape_cast %swap3A_282 : vector<1x1x16xf32> to vector<16xf32>
        %swap3A_284 = vector.shape_cast %get3A_278 : vector<16xf32> to vector<1x1x16xf32>
        tpu.vector_store %arg7[%swap3A_279, %swap3A_280, %swap3A_281], %swap3A_284 {strides = array<i32>} : memref<2x40x300xf32, #tpu.memory_space<vmem>>, vector<1x1x16xf32>,
        %get3A_285 = arith.index_cast %rem3A_77 : i32 to index
        %get3A_286 = arith.index_cast %scan3A_132 : i32 to index
        %get3A_287 = arith.constant 224 : index
        %get3A_288 = tpu.vector_load %arg6[%get3A_285, %get3A_286, %get3A_287] {strides = array<i32>} : memref<2x40x384xf32, #tpu.memory_space<vmem>>, vector<1x1x16xf32>,
        %get3A_289 = vector.shape_cast %get3A_288 : vector<1x1x16xf32> to vector<16xf32>
        %swap3A_290 = arith.index_cast %rem3A_77 : i32 to index
        %swap3A_291 = arith.index_cast %scan3A_132 : i32 to index
        %swap3A_292 = arith.constant 224 : index
        %swap3A_293 = tpu.vector_load %arg7[%swap3A_290, %swap3A_291, %swap3A_292] {strides = array<i32>} : memref<2x40x300xf32, #tpu.memory_space<vmem>>, vector<1x1x16xf32>,
        %swap3A_294 = vector.shape_cast %swap3A_293 : vector<1x1x16xf32> to vector<16xf32>
        %swap3A_295 = vector.shape_cast %get3A_289 : vector<16xf32> to vector<1x1x16xf32>
        tpu.vector_store %arg7[%swap3A_290, %swap3A_291, %swap3A_292], %swap3A_295 {strides = array<i32>} : memref<2x40x300xf32, #tpu.memory_space<vmem>>, vector<1x1x16xf32>,
        %get3A_296 = arith.index_cast %rem3A_77 : i32 to index
        %get3A_297 = arith.index_cast %scan3A_132 : i32 to index
        %get3A_298 = arith.constant 240 : index
        %get3A_299 = tpu.vector_load %arg6[%get3A_296, %get3A_297, %get3A_298] {strides = array<i32>} : memref<2x40x384xf32, #tpu.memory_space<vmem>>, vector<1x1x16xf32>,
        %get3A_300 = vector.shape_cast %get3A_299 : vector<1x1x16xf32> to vector<16xf32>
        %swap3A_301 = arith.index_cast %rem3A_77 : i32 to index
        %swap3A_302 = arith.index_cast %scan3A_132 : i32 to index
        %swap3A_303 = arith.constant 240 : index
        %swap3A_304 = tpu.vector_load %arg7[%swap3A_301, %swap3A_302, %swap3A_303] {strides = array<i32>} : memref<2x40x300xf32, #tpu.memory_space<vmem>>, vector<1x1x16xf32>,
        %swap3A_305 = vector.shape_cast %swap3A_304 : vector<1x1x16xf32> to vector<16xf32>
        %swap3A_306 = vector.shape_cast %get3A_300 : vector<16xf32> to vector<1x1x16xf32>
        tpu.vector_store %arg7[%swap3A_301, %swap3A_302, %swap3A_303], %swap3A_306 {strides = array<i32>} : memref<2x40x300xf32, #tpu.memory_space<vmem>>, vector<1x1x16xf32>,
        %get3A_307 = arith.index_cast %rem3A_77 : i32 to index
        %get3A_308 = arith.index_cast %scan3A_132 : i32 to index
        %get3A_309 = arith.constant 256 : index
        %get3A_310 = tpu.vector_load %arg6[%get3A_307, %get3A_308, %get3A_309] {strides = array<i32>} : memref<2x40x384xf32, #tpu.memory_space<vmem>>, vector<1x1x16xf32>,
        %get3A_311 = vector.shape_cast %get3A_310 : vector<1x1x16xf32> to vector<16xf32>
        %swap3A_312 = arith.index_cast %rem3A_77 : i32 to index
        %swap3A_313 = arith.index_cast %scan3A_132 : i32 to index
        %swap3A_314 = arith.constant 256 : index
        %swap3A_315 = tpu.vector_load %arg7[%swap3A_312, %swap3A_313, %swap3A_314] {strides = array<i32>} : memref<2x40x300xf32, #tpu.memory_space<vmem>>, vector<1x1x16xf32>,
        %swap3A_316 = vector.shape_cast %swap3A_315 : vector<1x1x16xf32> to vector<16xf32>
        %swap3A_317 = vector.shape_cast %get3A_311 : vector<16xf32> to vector<1x1x16xf32>
        tpu.vector_store %arg7[%swap3A_312, %swap3A_313, %swap3A_314], %swap3A_317 {strides = array<i32>} : memref<2x40x300xf32, #tpu.memory_space<vmem>>, vector<1x1x16xf32>,
        %get3A_318 = arith.index_cast %rem3A_77 : i32 to index
        %get3A_319 = arith.index_cast %scan3A_132 : i32 to index
        %get3A_320 = arith.constant 272 : index
        %get3A_321 = tpu.vector_load %arg6[%get3A_318, %get3A_319, %get3A_320] {strides = array<i32>} : memref<2x40x384xf32, #tpu.memory_space<vmem>>, vector<1x1x16xf32>,
        %get3A_322 = vector.shape_cast %get3A_321 : vector<1x1x16xf32> to vector<16xf32>
        %swap3A_323 = arith.index_cast %rem3A_77 : i32 to index
        %swap3A_324 = arith.index_cast %scan3A_132 : i32 to index
        %swap3A_325 = arith.constant 272 : index
        %swap3A_326 = tpu.vector_load %arg7[%swap3A_323, %swap3A_324, %swap3A_325] {strides = array<i32>} : memref<2x40x300xf32, #tpu.memory_space<vmem>>, vector<1x1x16xf32>,
        %swap3A_327 = vector.shape_cast %swap3A_326 : vector<1x1x16xf32> to vector<16xf32>
        %swap3A_328 = vector.shape_cast %get3A_322 : vector<16xf32> to vector<1x1x16xf32>
        tpu.vector_store %arg7[%swap3A_323, %swap3A_324, %swap3A_325], %swap3A_328 {strides = array<i32>} : memref<2x40x300xf32, #tpu.memory_space<vmem>>, vector<1x1x16xf32>,
        %get3A_329 = arith.index_cast %rem3A_77 : i32 to index
        %get3A_330 = arith.index_cast %scan3A_132 : i32 to index
        %get3A_331 = arith.constant 284 : index
        %get3A_332 = tpu.vector_load %arg6[%get3A_329, %get3A_330, %get3A_331] {strides = array<i32>} : memref<2x40x384xf32, #tpu.memory_space<vmem>>, vector<1x1x16xf32>,
        %get3A_333 = vector.shape_cast %get3A_332 : vector<1x1x16xf32> to vector<16xf32>
        %swap3A_334 = arith.index_cast %rem3A_77 : i32 to index
        %swap3A_335 = arith.index_cast %scan3A_132 : i32 to index
        %swap3A_336 = arith.constant 284 : index
        %swap3A_337 = tpu.vector_load %arg7[%swap3A_334, %swap3A_335, %swap3A_336] {strides = array<i32>} : memref<2x40x300xf32, #tpu.memory_space<vmem>>, vector<1x1x16xf32>,
        %swap3A_338 = vector.shape_cast %swap3A_337 : vector<1x1x16xf32> to vector<16xf32>
        %swap3A_339 = vector.shape_cast %get3A_333 : vector<16xf32> to vector<1x1x16xf32>
        tpu.vector_store %arg7[%swap3A_334, %swap3A_335, %swap3A_336], %swap3A_339 {strides = array<i32>} : memref<2x40x300xf32, #tpu.memory_space<vmem>>, vector<1x1x16xf32>,
      }
      %scan3A_101 = arith.constant 40 : i32
      %add3A_102 = arith.constant 2 : i32
      %add3A_103 = arith.addi %scan3A_76, %add3A_102 : i32
      %lt3A = arith.constant 160 : i32
      %lt3A_104 = arith.cmpi slt, %add3A_103, %lt3A : i32
      %convert_element_type3A_105 = arith.extui %lt3A_104 : i1 to i32
      %cond3A_106 = arith.constant 0 : i32
      %cond3A_107 = arith.cmpi ne, %convert_element_type3A_105, %cond3A_106 : i32
      scf.if %cond3A_107 {
        %add3A_132 = arith.constant 2 : i32
        %add3A_133 = arith.addi %scan3A_76, %add3A_132 : i32
        %dma_start3A_134 = arith.constant 0 : i32
        %dma_start3A_135 = arith.constant 0 : i32
        %dma_start3A_136 = tpu.memref_slice %arg6[%rem3A_77, %dma_start3A_134, %dma_start3A_135] : memref<2x40x384xf32, #tpu.memory_space<vmem>> -> memref<1x40x384xf32, #tpu.memory_space<vmem>>
        %dma_start3A_137 = tpu.memref_squeeze %dma_start3A_136 : memref<1x40x384xf32, #tpu.memory_space<vmem>> -> memref<40x384xf32, #tpu.memory_space<vmem>>
        %dma_start3A_138 = arith.constant 0 : i32
        %dma_start3A_139 = tpu.memref_slice %arg5[%add3A_133, %dma_start3A_138] : memref<160x40xi32, #tpu.memory_space<vmem>> -> memref<1x40xi32, #tpu.memory_space<vmem>>
        %dma_start3A_140 = tpu.memref_squeeze %dma_start3A_139 : memref<1x40xi32, #tpu.memory_space<vmem>> -> memref<40xi32, #tpu.memory_space<vmem>>
        %dma_start3A_141 = arith.constant 0 : i32
        %dma_start3A_142 = arith.constant 0 : i32
        %dma_start3A_143 = tpu.memref_slice %arg2[%dma_start3A_141, %dma_start3A_142] : memref<100000x384xf32, #tpu.memory_space<hbm>> -> memref<100000x384xf32, #tpu.memory_space<hbm>>
        %dma_start3A_144 = tpu.memref_slice %arg8[%rem3A_77] : memref<2x!tpu.dma_semaphore, #tpu.memory_space<semaphore_mem>> -> memref<1x!tpu.dma_semaphore, #tpu.memory_space<semaphore_mem>>
        %dma_start3A_145 = tpu.memref_squeeze %dma_start3A_144 : memref<1x!tpu.dma_semaphore, #tpu.memory_space<semaphore_mem>> -> memref<!tpu.dma_semaphore, #tpu.memory_space<semaphore_mem>>
        tpu.enqueue_indirect_dma source(%dma_start3A_143 : memref<100000x384xf32, #tpu.memory_space<hbm>>) target(%dma_start3A_137 : memref<40x384xf32, #tpu.memory_space<vmem>>) offsets(%dma_start3A_140 : memref<40xi32, #tpu.memory_space<vmem>>) semaphore(%dma_start3A_145 : memref<!tpu.dma_semaphore, #tpu.memory_space<semaphore_mem>>)
      } else {
      }
      %mul3A_108 = arith.constant 32 : i32
      %mul3A_109 = arith.muli %add3A, %mul3A_108 : i32
      %div3A = arith.constant 5 : i32
      %div3A_110 = arith.divsi %scan3A_76, %div3A : i32
      %add3A_111 = arith.addi %mul3A_109, %div3A_110 : i32
      %rem3A_112 = arith.constant 5 : i32
      %rem3A_113 = arith.remsi %scan3A_76, %rem3A_112 : i32
      %mul3A_114 = arith.constant 40 : i32
      %mul3A_115 = arith.muli %rem3A_113, %mul3A_114 : i32
      %dma_start3A_116 = arith.constant 0 : i32
      %dma_start3A_117 = arith.constant 0 : i32
      %dma_start3A_118 = tpu.memref_slice %arg7[%rem3A_77, %dma_start3A_116, %dma_start3A_117] : memref<2x40x300xf32, #tpu.memory_space<vmem>> -> memref<1x40x300xf32, #tpu.memory_space<vmem>>
      %dma_start3A_119 = tpu.memref_squeeze %dma_start3A_118 : memref<1x40x300xf32, #tpu.memory_space<vmem>> -> memref<40x300xf32, #tpu.memory_space<vmem>>
      %dma_start3A_120 = arith.constant 0 : i32
      %dma_start3A_121 = tpu.memref_slice %arg4[%add3A_111, %mul3A_115, %dma_start3A_120] : memref<1024x200x300xf32, #tpu.memory_space<hbm>> -> memref<1x40x300xf32, #tpu.memory_space<hbm>>
      %dma_start3A_122 = tpu.memref_squeeze %dma_start3A_121 : memref<1x40x300xf32, #tpu.memory_space<hbm>> -> memref<40x300xf32, #tpu.memory_space<hbm>>
      %dma_start3A_123 = tpu.memref_slice %arg9[%rem3A_77] : memref<2x!tpu.dma_semaphore, #tpu.memory_space<semaphore_mem>> -> memref<1x!tpu.dma_semaphore, #tpu.memory_space<semaphore_mem>>
      %dma_start3A_124 = tpu.memref_squeeze %dma_start3A_123 : memref<1x!tpu.dma_semaphore, #tpu.memory_space<semaphore_mem>> -> memref<!tpu.dma_semaphore, #tpu.memory_space<semaphore_mem>>
      %dma_start3A_125 = arith.constant 0 : i32
      %dma_start3A_126 = tpu.memref_slice %arg4[%add3A_111, %mul3A_115, %dma_start3A_125] : memref<1024x200x300xf32, #tpu.memory_space<hbm>> -> memref<1x40x300xf32, #tpu.memory_space<hbm>>
      %dma_start3A_127 = tpu.memref_squeeze %dma_start3A_126 : memref<1x40x300xf32, #tpu.memory_space<hbm>> -> memref<40x300xf32, #tpu.memory_space<hbm>>
      %dma_start3A_128 = arith.constant 0 : i32
      %dma_start3A_129 = arith.constant 0 : i32
      %dma_start3A_130 = tpu.memref_slice %arg7[%rem3A_77, %dma_start3A_128, %dma_start3A_129] : memref<2x40x300xf32, #tpu.memory_space<vmem>> -> memref<1x40x300xf32, #tpu.memory_space<vmem>>
      %dma_start3A_131 = tpu.memref_squeeze %dma_start3A_130 : memref<1x40x300xf32, #tpu.memory_space<vmem>> -> memref<40x300xf32, #tpu.memory_space<vmem>>
      tpu.enqueue_dma source(%dma_start3A_131 : memref<40x300xf32, #tpu.memory_space<vmem>>) target(%dma_start3A_127 : memref<40x300xf32, #tpu.memory_space<hbm>>) target_semaphore(%dma_start3A_124 : memref<!tpu.dma_semaphore, #tpu.memory_space<semaphore_mem>>)
    }
    %scan3A_34 = arith.constant 160 : i32
    %dma_wait3A = arith.constant 0 : i32
    %dma_wait3A_35 = arith.constant 0 : i32
    %dma_wait3A_36 = arith.constant 0 : i32
    %dma_wait3A_37 = arith.constant 0 : i32
    %dma_wait3A_38 = arith.constant 0 : i32
    %dma_wait3A_39 = tpu.memref_slice %arg7[%dma_wait3A, %dma_wait3A_37, %dma_wait3A_38] : memref<2x40x300xf32, #tpu.memory_space<vmem>> -> memref<1x40x300xf32, #tpu.memory_space<vmem>>
    %dma_wait3A_40 = tpu.memref_squeeze %dma_wait3A_39 : memref<1x40x300xf32, #tpu.memory_space<vmem>> -> memref<40x300xf32, #tpu.memory_space<vmem>>
    %dma_wait3A_41 = arith.constant 0 : i32
    %dma_wait3A_42 = arith.constant 0 : i32
    %dma_wait3A_43 = tpu.memref_slice %arg4[%dma_wait3A_35, %dma_wait3A_41, %dma_wait3A_42] : memref<1024x200x300xf32, #tpu.memory_space<hbm>> -> memref<1x40x300xf32, #tpu.memory_space<hbm>>
    %dma_wait3A_44 = tpu.memref_squeeze %dma_wait3A_43 : memref<1x40x300xf32, #tpu.memory_space<hbm>> -> memref<40x300xf32, #tpu.memory_space<hbm>>
    %dma_wait3A_45 = tpu.memref_slice %arg9[%dma_wait3A_36] : memref<2x!tpu.dma_semaphore, #tpu.memory_space<semaphore_mem>> -> memref<1x!tpu.dma_semaphore, #tpu.memory_space<semaphore_mem>>
    %dma_wait3A_46 = tpu.memref_squeeze %dma_wait3A_45 : memref<1x!tpu.dma_semaphore, #tpu.memory_space<semaphore_mem>> -> memref<!tpu.dma_semaphore, #tpu.memory_space<semaphore_mem>>
    %dma_wait3A_47 = arith.constant 0 : i32
    %dma_wait3A_48 = arith.constant 0 : i32
    %dma_wait3A_49 = tpu.memref_slice %arg4[%dma_wait3A_35, %dma_wait3A_47, %dma_wait3A_48] : memref<1024x200x300xf32, #tpu.memory_space<hbm>> -> memref<1x40x300xf32, #tpu.memory_space<hbm>>
    %dma_wait3A_50 = tpu.memref_squeeze %dma_wait3A_49 : memref<1x40x300xf32, #tpu.memory_space<hbm>> -> memref<40x300xf32, #tpu.memory_space<hbm>>
    %dma_wait3A_51 = arith.constant 0 : i32
    %dma_wait3A_52 = arith.constant 0 : i32
    %dma_wait3A_53 = tpu.memref_slice %arg7[%dma_wait3A, %dma_wait3A_51, %dma_wait3A_52] : memref<2x40x300xf32, #tpu.memory_space<vmem>> -> memref<1x40x300xf32, #tpu.memory_space<vmem>>
    %dma_wait3A_54 = tpu.memref_squeeze %dma_wait3A_53 : memref<1x40x300xf32, #tpu.memory_space<vmem>> -> memref<40x300xf32, #tpu.memory_space<vmem>>
    tpu.wait_dma2 semaphore(%dma_wait3A_46 : memref<!tpu.dma_semaphore, #tpu.memory_space<semaphore_mem>>) src(%dma_wait3A_54 : memref<40x300xf32, #tpu.memory_space<vmem>>) dst(%dma_wait3A_50 : memref<40x300xf32, #tpu.memory_space<hbm>>)
    %dma_wait3A_55 = arith.constant 1 : i32
    %dma_wait3A_56 = arith.constant 0 : i32
    %dma_wait3A_57 = arith.constant 1 : i32
    %dma_wait3A_58 = arith.constant 0 : i32
    %dma_wait3A_59 = arith.constant 0 : i32
    %dma_wait3A_60 = tpu.memref_slice %arg7[%dma_wait3A_55, %dma_wait3A_58, %dma_wait3A_59] : memref<2x40x300xf32, #tpu.memory_space<vmem>> -> memref<1x40x300xf32, #tpu.memory_space<vmem>>
    %dma_wait3A_61 = tpu.memref_squeeze %dma_wait3A_60 : memref<1x40x300xf32, #tpu.memory_space<vmem>> -> memref<40x300xf32, #tpu.memory_space<vmem>>
    %dma_wait3A_62 = arith.constant 0 : i32
    %dma_wait3A_63 = arith.constant 0 : i32
    %dma_wait3A_64 = tpu.memref_slice %arg4[%dma_wait3A_56, %dma_wait3A_62, %dma_wait3A_63] : memref<1024x200x300xf32, #tpu.memory_space<hbm>> -> memref<1x40x300xf32, #tpu.memory_space<hbm>>
    %dma_wait3A_65 = tpu.memref_squeeze %dma_wait3A_64 : memref<1x40x300xf32, #tpu.memory_space<hbm>> -> memref<40x300xf32, #tpu.memory_space<hbm>>
    %dma_wait3A_66 = tpu.memref_slice %arg9[%dma_wait3A_57] : memref<2x!tpu.dma_semaphore, #tpu.memory_space<semaphore_mem>> -> memref<1x!tpu.dma_semaphore, #tpu.memory_space<semaphore_mem>>
    %dma_wait3A_67 = tpu.memref_squeeze %dma_wait3A_66 : memref<1x!tpu.dma_semaphore, #tpu.memory_space<semaphore_mem>> -> memref<!tpu.dma_semaphore, #tpu.memory_space<semaphore_mem>>
    %dma_wait3A_68 = arith.constant 0 : i32
    %dma_wait3A_69 = arith.constant 0 : i32
    %dma_wait3A_70 = tpu.memref_slice %arg4[%dma_wait3A_56, %dma_wait3A_68, %dma_wait3A_69] : memref<1024x200x300xf32, #tpu.memory_space<hbm>> -> memref<1x40x300xf32, #tpu.memory_space<hbm>>
    %dma_wait3A_71 = tpu.memref_squeeze %dma_wait3A_70 : memref<1x40x300xf32, #tpu.memory_space<hbm>> -> memref<40x300xf32, #tpu.memory_space<hbm>>
    %dma_wait3A_72 = arith.constant 0 : i32
    %dma_wait3A_73 = arith.constant 0 : i32
    %dma_wait3A_74 = tpu.memref_slice %arg7[%dma_wait3A_55, %dma_wait3A_72, %dma_wait3A_73] : memref<2x40x300xf32, #tpu.memory_space<vmem>> -> memref<1x40x300xf32, #tpu.memory_space<vmem>>
    %dma_wait3A_75 = tpu.memref_squeeze %dma_wait3A_74 : memref<1x40x300xf32, #tpu.memory_space<vmem>> -> memref<40x300xf32, #tpu.memory_space<vmem>>
    tpu.wait_dma2 semaphore(%dma_wait3A_67 : memref<!tpu.dma_semaphore, #tpu.memory_space<semaphore_mem>>) src(%dma_wait3A_75 : memref<40x300xf32, #tpu.memory_space<vmem>>) dst(%dma_wait3A_71 : memref<40x300xf32, #tpu.memory_space<hbm>>)
    return
  }
}

module attributes {stable_mosaic.version = 14 : i64} {
  func.func @_pad_body(%arg0: i32, %arg1: i32, %arg2: memref<5000x128xf32, #tpu.memory_space<vmem>>, %arg3: memref<5000x128xf32, #tpu.memory_space<vmem>>) attributes {dimension_semantics = [#tpu.dimension_semantics<arbitrary>, #tpu.dimension_semantics<arbitrary>], iteration_bounds = array<i64: 20, 3>, scalar_prefetch = 0 : i64, scratch_operands = 0 : i64, tpu.core_type = #tpu.core_type<tc>, window_params = [{transform_indices = @transform_0, window_bounds = array<i64: 5000, 128>}, {transform_indices = @transform_1, window_bounds = array<i64: 5000, 128>}]} {
    %get3A = arith.constant 0 : index
    %get3A_0 = arith.constant 0 : index
    %get3A_1 = vector.load %arg2[%get3A, %get3A_0] : memref<5000x128xf32, #tpu.memory_space<vmem>>, vector<5000x128xf32>
    %swap3A = arith.constant 0 : index
    %swap3A_2 = arith.constant 0 : index
    %swap3A_3 = vector.load %arg3[%swap3A, %swap3A_2] : memref<5000x128xf32, #tpu.memory_space<vmem>>, vector<5000x128xf32>
    tpu.vector_store %arg3[%swap3A, %swap3A_2], %get3A_1 {strides = array<i32>} : memref<5000x128xf32, #tpu.memory_space<vmem>>, vector<5000x128xf32>,
    return
  }
  func.func @transform_0(%arg0: i32, %arg1: i32) -> (i32, i32) {
    %c0_i32 = arith.constant 0 : i32
    return %arg0, %arg1 : i32, i32
  }
  func.func @transform_1(%arg0: i32, %arg1: i32) -> (i32, i32) {
    %c0_i32 = arith.constant 0 : i32
    return %arg0, %arg1 : i32, i32
  }
}

</mosaic_0001>

<sc_bundles>
// kernel: kernel.4.cloned.1.call-start
scs
__scs_entry_jumppad:
0x0: {  	(pc) =	sbr.rel $0x88, $3  }
0x1: {  	(tag) =	ssettag $0x0;
	lr =	simm.s32 $0x1  }
0x2: {  	[smem:$0x3F9F] =	sst lr;
	_ =	strace $0xD0000000  }
0x3: {  	_ = 	snop  }
0x4: {  	_ = 	snop  }
0x5: {  	_ = 	snop  }
0x6: {  	_ = 	snop  }
0x7: {  	_ = 	snop  }
__scs_overlays_trampoline_lowered:
0x8: {  	[smem:$0x3FAE] =	sst s0  }
0x9: {  	[smem:$0x3FAF] =	sst s1  }
0xa: {  	[smem:$0x3FB0] =	sst s2  }
0xb: {  	[smem:$0x3FB1] =	sst s3  }
0xc: {  	[smem:$0x3FB2] =	sst s4  }
0xd: {  	[smem:$0x3FB3] =	sst s5  }
0xe: {  	[smem:$0x3FB4] =	sst s6  }
0xf: {  	[smem:$0x3FB5] =	sst s7  }
0x10: {  	[smem:$0x3FB6] =	sst s8  }
0x11: {  	[smem:$0x3FB7] =	sst s9;
	s0 =	simm.s32 @!p0 $0x0  }
0x12: {  	s1 =	sld [smem:$0x3F9D];
	s0 =	simm.s32 @p0 $0x1  }
0x13: {  	[smem:$0x3FB8] =	sst s0;
	s0 =	simm.s32 @!p1 $0x0  }
0x14: {  	s2 =	sld [smem:$0x3F9C];
	s0 =	simm.s32 @p1 $0x1  }
0x15: {  	[smem:$0x3FB9] =	sst s0;
	s0 =	simm.s32 @!p2 $0x0  }
0x16: {  	s3 =	sld [smem:$0x3FDB];
	s0 =	simm.s32 @p2 $0x1  }
0x17: {  	s4 =	simm.s32 $0x1BF5;
	[smem:$0x3FBB] =	sst s0  }
0x18: {  	s0 =	sld [smem:$0x3F9E];
	_ =	swait.ge [sflag:s4], $0x0  }
0x19: {  	s7 =	sld [smem:$0x3F9F]  }
0x1a: {  	s8 =	sadd.s32 $0xFFFFE003, lr  }
0x1b: {  	s9 =	sadd.s32 $0xFFFFFEF7, lr;
	s5 =	simm.s32 $0xFFFFFFFF;
	p2 =	slt.u32 s8, $0xFFFFF086  }
0x1c: {  	p1 =	slt.u32 s9, $0xF7A;
	s5 =	simm.s32 @!p2 $0x0  }
0x1d: {  	s5 =	simm.s32 @p1 $0x1;
	p0 =	seq.s32 s7, s2  }
0x1e: {  	s7 =	smul.u32 @!p0 $0xF7A, s2;
	p2 =	seq.s32 @!p0 s5, $0x0  }
0x1f: {  	s9 =	smul.u32 $0xF7A, s1;
	s8 =	simm.s32 @!p0 $0x1BF5;
	p2 =	por !p2, p0  }
0x20: {  	[sflag:s8] =	ssyncset.s32 @!p0 $0xFFFFF086;
	s6 =	sadd.s32 @!p0 s3, s7;
	s7 =	simm.s32 @!p0 $0x108  }
0x21: {  	s3 =	sadd.s32 s3, s9;
	s6 =	sadd.s32 @!p0 $0x88, s6;
	s7 =	simm.s32 @p2 $0x1082  }
0x22: {  	[simem:s7], [sflag:s8] =	dma.local @!p0 [hbm:s6], $0xF7A  }
0x23: {  	s9 =	sor.u32 $0xD0000000, s2;
	s6 =	simm.s32 $0x108;
	_ =	swait.ge @!p0 [sflag:s8], $0x0  }
0x24: {  	s3 =	sadd.s32 $0x88, s3;
	s6 =	simm.s32 @!p1 $0x1082;
	[sflag:s4] =	ssyncset.s32 $0xFFFFF086  }
0x25: {  	[simem:s6], [sflag:s4] =	dma.local [hbm:s3], $0xF7A  }
0x26: {  	[smem:$0x3F9F] =	sst s1;
	(tag) =	ssettag s2;
	_ =	strace s9  }
0x27: {  	s1 =	sld [smem:$0x3FAF]  }
0x28: {  	s2 =	sld [smem:$0x3FB0]  }
0x29: {  	s4 =	sld [smem:$0x3FB2]  }
0x2a: {  	p0 =	seq.s32 s5, $0x0;
	s5 =	sld [smem:$0x3FB3]  }
0x2b: {  	s6 =	sld [smem:$0x3FB4]  }
0x2c: {  	s7 =	sld [smem:$0x3FB5]  }
0x2d: {  	s3 =	simm.s32 $0x108;
	s8 =	sld [smem:$0x3FB6]  }
0x2e: {  	s3 =	simm.s32 @!p0 $0x1082;
	s9 =	sld [smem:$0x3FB7]  }
0x2f: {  	lr =	sadd.s32 s0, s3;
	s0 =	sld [smem:$0x3FAE]  }
0x30: {  	s3 =	sld [smem:$0x3FB1]  }
0x31: {  	[smem:$0x3FBA] =	sst s10  }
0x32: {  	s10 =	sld [smem:$0x3FB8];
	_ =	sdelay $0x3  }
0x33: {  	p0 =	seq.s32 s10, $0x1;
	s10 =	sld [smem:$0x3FBA];
	_ =	sdelay $0x3  }
0x34: {  	[smem:$0x3FBA] =	sst s10  }
0x35: {  	s10 =	sld [smem:$0x3FB9];
	_ =	sdelay $0x3  }
0x36: {  	p1 =	seq.s32 s10, $0x1;
	s10 =	sld [smem:$0x3FBA];
	_ =	sdelay $0x3  }
0x37: {  	[smem:$0x3FBA] =	sst s10  }
0x38: {  	s10 =	sld [smem:$0x3FBB]  }
0x39: {  	_ = 	snop;
	(pc) =	sbr.ind lr, $3  }
0x3a: {  	_ = 	snop  }
0x3b: {  	_ = 	snop  }
0x3c: {  	p2 =	seq.s32 s10, $0x1;
	s10 =	sld [smem:$0x3FBA]  }
0x3d: {  	_ =	shalt  }
0x3e: {  	_ =	shalt  }
0x3f: {  	_ =	shalt  }
0x40: {  	_ =	shalt  }
0x41: {  	_ =	shalt  }
0x42: {  	_ =	shalt  }
0x43: {  	_ =	shalt  }
0x44: {  	_ =	shalt  }
0x45: {  	_ =	shalt  }
0x46: {  	_ =	shalt  }
0x47: {  	_ =	shalt  }
0x48: {  	_ =	shalt  }
0x49: {  	_ =	shalt  }
0x4a: {  	_ =	shalt  }
0x4b: {  	_ =	shalt  }
0x4c: {  	_ =	shalt  }
0x4d: {  	_ =	shalt  }
0x4e: {  	_ =	shalt  }
0x4f: {  	_ =	shalt  }
0x50: {  	_ =	shalt  }
0x51: {  	_ =	shalt  }
0x52: {  	_ =	shalt  }
0x53: {  	_ =	shalt  }
0x54: {  	_ =	shalt  }
0x55: {  	_ =	shalt  }
0x56: {  	_ =	shalt  }
0x57: {  	_ =	shalt  }
0x58: {  	_ =	shalt  }
0x59: {  	_ =	shalt  }
0x5a: {  	_ =	shalt  }
0x5b: {  	_ =	shalt  }
0x5c: {  	_ =	shalt  }
0x5d: {  	_ =	shalt  }
0x5e: {  	_ =	shalt  }
0x5f: {  	_ =	shalt  }
0x60: {  	_ =	shalt  }
0x61: {  	_ =	shalt  }
0x62: {  	_ =	shalt  }
0x63: {  	_ =	shalt  }
0x64: {  	_ =	shalt  }
0x65: {  	_ =	shalt  }
0x66: {  	_ =	shalt  }
0x67: {  	_ =	shalt  }
0x68: {  	_ =	shalt  }
0x69: {  	_ =	shalt  }
0x6a: {  	_ =	shalt  }
0x6b: {  	_ =	shalt  }
0x6c: {  	_ =	shalt  }
0x6d: {  	_ =	shalt  }
0x6e: {  	_ =	shalt  }
0x6f: {  	_ =	shalt  }
0x70: {  	_ =	shalt  }
0x71: {  	_ =	shalt  }
0x72: {  	_ =	shalt  }
0x73: {  	_ =	shalt  }
0x74: {  	_ =	shalt  }
0x75: {  	_ =	shalt  }
0x76: {  	_ =	shalt  }
0x77: {  	_ =	shalt  }
0x78: {  	_ =	shalt  }
0x79: {  	_ =	shalt  }
0x7a: {  	_ =	shalt  }
0x7b: {  	_ =	shalt  }
0x7c: {  	_ =	shalt  }
0x7d: {  	_ =	shalt  }
0x7e: {  	_ =	shalt  }
0x7f: {  	_ =	shalt  }
0x80: {  	_ =	shalt  }
0x81: {  	_ =	shalt  }
0x82: {  	_ =	shalt  }
0x83: {  	_ =	shalt  }
0x84: {  	_ =	shalt  }
0x85: {  	_ =	shalt  }
0x86: {  	_ =	shalt  }
0x87: {  	_ =	shalt  }
.Lfunc_end0:
.L_simem_size_0:
called_computation_lowered:
.L_overlay_start_0:
0x88: {  	s2 =	sld [smem:$0x3FD9]  }
0x89: {  	s3 =	sld [smem:$0x3FFE];
	_ =	sdelay $0x1  }
0x8a: {  	s1 =	srdreg.scid  }
0x8b: {  	s0 =	sand.u32 $0x1, s1  }
0x8c: {  	s16 =	sshll.u32 s0, $0xA;
	s2 =	sadd.s32 s3, s2  }
0x8d: {  	s2 =	sadd.s32 s2, s16  }
0x8e: {  	[smem:$0x3FC6] =	sst s2  }
0x8f: {  	_ = 	snop  }
0x90: {  	(tm) =	ssettm $0x1  }
0x91: {  	s17 =	sld [smem:$0x3FFB];
	_ =	sdelay $0x3  }
0x92: {  	_ =	strace s17  }
0x93: {  	s2 =	sld [smem:$0x3FFC];
	_ =	sdelay $0x3  }
0x94: {  	_ =	strace s2  }
0x95: {  	s2 =	sld [smem:$0x3FFD];
	_ =	sdelay $0x3  }
0x96: {  	_ =	strace s2  }
0x97: {  	_ =	strace $0x8FFFFFFF  }
0x98: {  	s18 =	sld [smem:$0x3FDB];
	_ =	sdelay $0x1  }
0x99: {  	s19 =	simm.s32 $_scs_section_size  }
0x9a: {  	s4 =	simm.s32 $_size__tile_overlayer_lowered;
	s5 =	simm.s32 $_tile_overlayer_lowered  }
0x9b: {  	s22 =	simm.s32 $0x1BFF;
	s21 =	sshll.u32 s5, $0x1;
	s2 =	sadd.s32 s19, s18  }
0x9c: {  	s6 =	simm.s32 $0x0;
	s20 =	sshll.u32 s4, $0x1;
	s4 =	sadd.s32 s21, s2  }
0x9d: {  	[timem:s6], [sflag:s22] =	dma.local [hbm:s4], s20  }
0x9e: {  	_ =	swait.ge [sflag:s22], s20  }
0x9f: {  	s3 =	ssub.s32 $0x0, s20;
	[sflag:s22] =	ssyncset.done $0x0  }
0xa0: {  	[sflag:s22] =	ssyncadd.s32 s3;
	_ =	sdelay $0x1  }
0xa1: {  	s23 =	simm.s32 $0x1B8B  }
0xa2: {  	_ =	swait.ge [sflag:s23], $0x1  }
0xa3: {  	[sflag:s23] =	ssyncset.done $0x0  }
0xa4: {  	s25 =	simm.s32 $0x1B8E;
	s24 =	sld [smem:$0x3FFE];
	[sflag:s23] =	ssyncadd.s32 $0xFFFFFFFF  }
0xa5: {  	s26 =	simm.s32 $execute0_lowered;
	[smem:$0x3FD2] =	sst s25  }
0xa6: {  	s4 =	sshll.u32 s26, $0x1;
	_ =	strace $0x80000046;
	[dreg:$0x1] =	wrdreg $0xFFFFFFFF  }
0xa7: {  	s28 =	simm.s32 $_size_execute0_lowered;
	s2 =	sadd.s32 s2, s4;
	[dreg:$0x0] =	wrdreg $0x0  }
0xa8: {  	s4 =	sshll.u32 s28, $0x1;
	[dreg:$0x2] =	wrdreg s2  }
0xa9: {  	[dreg:$0x3] =	wrdreg s4  }
0xaa: {  	[dreg:$0x4] =	wrdreg $0xC0  }
0xab: {  	_ =	task [dreg:s6], $0x5FFFF  }
0xac: {  	[dreg:$0x1] =	wrdreg $0xFFFFFFFF  }
0xad: {  	[dreg:$0x0] =	wrdreg $0x60  }
0xae: {  	[dreg:$0x2] =	wrdreg s24  }
0xaf: {  	[dreg:$0x3] =	wrdreg $0x9  }
0xb0: {  	_ =	task.clear_ibuf [dreg:s6], $0x4FFFF;
	_ =	strace $0x90000046  }
0xb1: {  	s29 =	simm.s32 $0x9;
	_ =	strace $0x80000048  }
0xb2: {  	_ =	swait.ge [sflag:s29], $0x1  }
0xb3: {  	[sflag:s29] =	ssyncadd.s32 $0xFFFFFFFF  }
0xb4: {  	_ =	strace $0x90000048  }
0xb5: {  	_ =	sfence  }
0xb6: {  	s30 =	sld [smem:$0x0];
	_ =	sdelay $0x2  }
0xb7: {  	s31 =	sshll.u32 s1, $0xD;
	s1 =	sshrl.u32 s1, $0x2  }
0xb8: {  	s3 =	sand.u32 $0x4000, s31;
	s1 =	sadd.s32 s1, s30  }
0xb9: {  	s0 =	sor.u32 s3, s0;
	s1 =	sshll.u32 s1, $0x11  }
0xba: {  	s0 =	sor.u32 s1, s0  }
0xbb: {  	s0 =	sadd.s32 $0x8F2B, s0  }
0xbc: {  	[sflag:s0] =	ssyncadd.remote.s32 $0x1  }
0xbd: {  	_ =	sfence.sel $0xFFFF  }
0xbe: {  	[dreg:$0x0] =	wrdreg $0xFFFFFFFF;
	(pc) =	sbr.abs _section_cstart, $3  }
0xbf: {  	[dreg:$0x1] =	wrdreg $0xFFFFFFFF  }
0xc0: {  	_ =	task.clear_ibuf [dreg:s6], $0x2FFFF;
	_ =	strace $0x9FFFFFFF  }
0xc1: {  	(tm) =	ssettm $0x7FFFFFFF  }
tec
execute0_lowered:
.L_overlay_start_1:
0x0: {  	(tag) =	ssettag $0x1  }
0x1: {  	s0 =	srdreg.scid  }
0x2: {  	s2 =	stileid.u32;
	s1 =	rddreg [dreg:$0x0]  }
0x3: {  	s9 =	simm.s32 $0x5;
	s21 =	simm.s32 $0x9400;
	s22 =	simm.s32 $0x9800  }
0x4: {  	s23 =	simm.s32 $0xA000;
	s24 =	simm.s32 $0xA400;
	s25 =	simm.s32 $0xAC00  }
0x5: {  	s26 =	simm.s32 $0xB000;
	s28 =	simm.s32 $0xB800;
	s29 =	simm.s32 $0xBC00  }
0x6: {  	s30 =	simm.s32 $0xC400;
	s0 =	sand.u32 $0x1, s0;
	s3 =	sshll.u32 s2, $0x1  }
0x7: {  	s31 =	simm.s32 $0x3;
	s2 =	simm.s32 $0x0;
	s7 =	sor.u32 s0, s3  }
0x8: {  	[smem:$0x7FF] =	sst s2;
	s0 =	ssub.s32 $0x2, s0;
	s3 =	sadd.s32 $0x14400, s1  }
0x9: {  	s4 =	smul.u32 $0xA00, s7;
	_ =	strace $0x80000047;
	s6 =	sshrl.u32 s0, $0x1  }
0xa: {  	v2 =	vlaneseq.u32;
	s7 =	sshll.u32 s7, $0x5;
	s0 =	ssub.s32 s0, s6;
	s6 =	sadd.s32 $0x14500, s1  }
0xb: {  	vm0 =	vmmov $0xffff;
	vm1 =	vmmov $0xff;
	v1 =	vshrl.u32 v2, $0x3;
	s5 =	sadd.s32 s4, s1;
	s4 =	sadd.s32 $0x4A8200, s1;
	s8 =	smax.u32 s0, $0x1  }
0xc: {  	v0 =	vand.u32 $0x7, v2;
	v2 =	vor.u32 $0x8, v2;
	v1 =	vmul.u32 $0x8, v1;
	s1 =	simm.s32 $0x4;
	s0 =	simm.s32 $0x0;
	s5 =	sadd.s32 $0x400, s5  }
.LBB2_1:
0xd: {  	[tilespmem:s2], [sflag:$0x5] =	stream.linear.gather [hbm4b:s5+s2], $0x5000, $0x38;
	[tilespmem:$0x14000] =	vst v63  }
0xe: {  	_ =	swait.ge [sflag:s9], $0x5000  }
0xf: {  	[sflag:s9] =	ssyncset.done $0x0  }
0x10: {  	[sflag:s9] =	ssyncadd.s32 $0xFFFFB000  }
0x11: {  	v3 =	vld [tilespmem:$0x0];
	_ =	sdelay $0x4  }
0x12: {  	v4 =	vshrl.u32 v3, $0x3  }
0x13: {  	v4 =	vmul.u32 $0x18, v4  }
0x14: {  	v3 =	vand.u32 $0x7, v3  }
0x15: {  	v3 =	vor.u32 v3, v4  }
0x16: {  	v4 =	vperm.xlane v3, v0;
	_ =	sdelay $0x1  }
0x17: {  	v4 =	vadd.s32 v1, v4;
	_ =	sdelay $0x1  }
0x18: {  	v3 =	vperm.xlane v3, v2;
	_ =	sdelay $0x1  }
0x19: {  	s10 =	simm.s32 $0x5000;
	v3 =	vadd.s32 v1, v3  }
0x1a: {  	[tilespmem:s10], [sflag:$0x1] =	stream.indirect_vreg.gather [hbm4b:s3+s2], $0x80, v4, vm0, $0xb8;
	[tilespmem:$0x14000] =	vst v63  }
0x1b: {  	s11 =	simm.s32 $0x5800  }
0x1c: {  	[tilespmem:s11], [sflag:$0x1] =	stream.indirect_vreg.gather [hbm4b:s6+s2], $0x80, v4, vm1, $0xb8;
	[tilespmem:$0x14000] =	vst v63  }
0x1d: {  	s12 =	simm.s32 $0x5C00  }
0x1e: {  	[tilespmem:s12], [sflag:$0x1] =	stream.indirect_vreg.gather [hbm4b:s3+s2], $0x80, v3, vm0, $0xb8;
	[tilespmem:$0x14000] =	vst v63  }
0x1f: {  	s13 =	simm.s32 $0x6400  }
0x20: {  	[tilespmem:s13], [sflag:$0x1] =	stream.indirect_vreg.gather [hbm4b:s6+s2], $0x80, v3, vm1, $0xb8;
	[tilespmem:$0x14000] =	vst v63  }
0x21: {  	v3 =	vld [tilespmem:$0x10];
	_ =	sdelay $0x4  }
0x22: {  	v59 =	vshrl.u32 v3, $0x3  }
0x23: {  	v4 =	vmul.u32 $0x18, v59  }
0x24: {  	v3 =	vand.u32 $0x7, v3  }
0x25: {  	v3 =	vor.u32 v3, v4  }
0x26: {  	v4 =	vperm.xlane v3, v0;
	_ =	sdelay $0x1  }
0x27: {  	v4 =	vadd.s32 v1, v4;
	_ =	sdelay $0x1  }
0x28: {  	v3 =	vperm.xlane v3, v2;
	_ =	sdelay $0x1  }
0x29: {  	s14 =	simm.s32 $0x6800;
	v3 =	vadd.s32 v1, v3  }
0x2a: {  	[tilespmem:s14], [sflag:$0x1] =	stream.indirect_vreg.gather [hbm4b:s3+s2], $0x80, v4, vm0, $0xb8;
	[tilespmem:$0x14000] =	vst v63  }
0x2b: {  	s15 =	simm.s32 $0x7000  }
0x2c: {  	[tilespmem:s15], [sflag:$0x1] =	stream.indirect_vreg.gather [hbm4b:s6+s2], $0x80, v4, vm1, $0xb8;
	[tilespmem:$0x14000] =	vst v63  }
0x2d: {  	s16 =	simm.s32 $0x7400  }
0x2e: {  	[tilespmem:s16], [sflag:$0x1] =	stream.indirect_vreg.gather [hbm4b:s3+s2], $0x80, v3, vm0, $0xb8;
	[tilespmem:$0x14000] =	vst v63  }
0x2f: {  	s17 =	simm.s32 $0x7C00  }
0x30: {  	[tilespmem:s17], [sflag:$0x1] =	stream.indirect_vreg.gather [hbm4b:s6+s2], $0x80, v3, vm1, $0xb8;
	[tilespmem:$0x14000] =	vst v63  }
0x31: {  	v3 =	vld.msk [tilespmem:$0x20], $0xff;
	_ =	sdelay $0x4  }
0x32: {  	v60 =	vshrl.u32 v3, $0x3  }
0x33: {  	v4 =	vmul.u32 $0x18, v60  }
0x34: {  	v3 =	vand.u32 $0x7, v3  }
0x35: {  	v3 =	vor.u32 v3, v4  }
0x36: {  	v3 =	vperm.xlane v3, v0;
	_ =	sdelay $0x1  }
0x37: {  	v3 =	vadd.s32 v1, v3;
	_ =	sdelay $0x3  }
0x38: {  	s18 =	simm.s32 $0x8000  }
0x39: {  	[tilespmem:s18], [sflag:$0x1] =	stream.indirect_vreg.gather [hbm4b:s3+s2], $0x80, v3, vm0, $0xb8;
	[tilespmem:$0x14000] =	vst v63  }
0x3a: {  	s19 =	simm.s32 $0x8800  }
0x3b: {  	[tilespmem:s19], [sflag:$0x1] =	stream.indirect_vreg.gather [hbm4b:s6+s2], $0x80, v3, vm1, $0xb8;
	[tilespmem:$0x14000] =	vst v63  }
0x3c: {  	v3 =	vld [tilespmem:$0x80];
	_ =	sdelay $0x4  }
0x3d: {  	v61 =	vshrl.u32 v3, $0x3  }
0x3e: {  	v4 =	vmul.u32 $0x18, v61  }
0x3f: {  	v3 =	vand.u32 $0x7, v3  }
0x40: {  	v3 =	vor.u32 v3, v4  }
0x41: {  	v4 =	vperm.xlane v3, v0;
	_ =	sdelay $0x1  }
0x42: {  	v4 =	vadd.s32 v1, v4;
	_ =	sdelay $0x1  }
0x43: {  	v3 =	vperm.xlane v3, v2;
	_ =	sdelay $0x1  }
0x44: {  	s20 =	simm.s32 $0x8C00;
	v3 =	vadd.s32 v1, v3  }
0x45: {  	[tilespmem:s20], [sflag:$0x2] =	stream.indirect_vreg.gather [hbm4b:s3+s2], $0x80, v4, vm0, $0xb8;
	[tilespmem:$0x14000] =	vst v63  }
0x46: {  	_ = 	snop  }
0x47: {  	[tilespmem:s21], [sflag:$0x2] =	stream.indirect_vreg.gather [hbm4b:s6+s2], $0x80, v4, vm1, $0xb8;
	[tilespmem:$0x14000] =	vst v63  }
0x48: {  	_ = 	snop  }
0x49: {  	[tilespmem:s22], [sflag:$0x2] =	stream.indirect_vreg.gather [hbm4b:s3+s2], $0x80, v3, vm0, $0xb8;
	[tilespmem:$0x14000] =	vst v63  }
0x4a: {  	_ = 	snop  }
0x4b: {  	[tilespmem:s23], [sflag:$0x2] =	stream.indirect_vreg.gather [hbm4b:s6+s2], $0x80, v3, vm1, $0xb8;
	[tilespmem:$0x14000] =	vst v63  }
0x4c: {  	v3 =	vld [tilespmem:$0x90];
	_ =	sdelay $0x4  }
0x4d: {  	v62 =	vshrl.u32 v3, $0x3  }
0x4e: {  	v4 =	vmul.u32 $0x18, v62  }
0x4f: {  	v3 =	vand.u32 $0x7, v3  }
0x50: {  	v3 =	vor.u32 v3, v4  }
0x51: {  	v4 =	vperm.xlane v3, v0;
	_ =	sdelay $0x1  }
0x52: {  	v4 =	vadd.s32 v1, v4;
	_ =	sdelay $0x1  }
0x53: {  	v3 =	vperm.xlane v3, v2;
	_ =	sdelay $0x1  }
0x54: {  	v3 =	vadd.s32 v1, v3  }
0x55: {  	[tilespmem:s24], [sflag:$0x2] =	stream.indirect_vreg.gather [hbm4b:s3+s2], $0x80, v4, vm0, $0xb8;
	[tilespmem:$0x14000] =	vst v63  }
0x56: {  	_ = 	snop  }
0x57: {  	[tilespmem:s25], [sflag:$0x2] =	stream.indirect_vreg.gather [hbm4b:s6+s2], $0x80, v4, vm1, $0xb8;
	[tilespmem:$0x14000] =	vst v63  }
0x58: {  	_ = 	snop  }
0x59: {  	[tilespmem:s26], [sflag:$0x2] =	stream.indirect_vreg.gather [hbm4b:s3+s2], $0x80, v3, vm0, $0xb8;
	[tilespmem:$0x14000] =	vst v63  }
0x5a: {  	_ = 	snop  }
0x5b: {  	[tilespmem:s28], [sflag:$0x2] =	stream.indirect_vreg.gather [hbm4b:s6+s2], $0x80, v3, vm1, $0xb8;
	[tilespmem:$0x14000] =	vst v63  }
0x5c: {  	v3 =	vld.msk [tilespmem:$0xA0], $0xff;
	_ =	sdelay $0x4  }
0x5d: {  	v63 =	vshrl.u32 v3, $0x3  }
0x5e: {  	v4 =	vmul.u32 $0x18, v63  }
0x5f: {  	v3 =	vand.u32 $0x7, v3  }
0x60: {  	v3 =	vor.u32 v3, v4  }
0x61: {  	v3 =	vperm.xlane v3, v0;
	_ =	sdelay $0x1  }
0x62: {  	v3 =	vadd.s32 v1, v3;
	_ =	sdelay $0x4  }
0x63: {  	[tilespmem:s29], [sflag:$0x2] =	stream.indirect_vreg.gather [hbm4b:s3+s2], $0x80, v3, vm0, $0xb8;
	[tilespmem:$0x14000] =	vst v63  }
0x64: {  	s10 =	simm.s32 $0x0  }
0x65: {  	[tilespmem:s30], [sflag:$0x2] =	stream.indirect_vreg.gather [hbm4b:s6+s2], $0x80, v3, vm1, $0xb8;
	[tilespmem:$0x14000] =	vst v63  }
.LBB2_2:
0x66: {  	s11 =	sand.u32 $0x1, s10;
	p0 =	slt.u32 s10, $0x2  }
0x67: {  	s13 =	sadd.s32 @!p0 $0x3, s11  }
0x68: {  	_ =	swait.ge @!p0 [sflag:s13], $0x3C00  }
0x69: {  	s14 =	simm.s32 $0x0;
	s12 =	smul.u32 $0x3C00, s11;
	[sflag:s13] =	ssyncset.done @!p0 $0x0  }
0x6a: {  	s15 =	smul.u32 $0xC00, s14;
	[sflag:s13] =	ssyncadd.s32 @!p0 $0xFFFFC400;
	s13 =	sadd.s32 $0x1, s11  }
0x6b: {  	s14 =	simm.s32 $0x0;
	_ =	swait.ge [sflag:s13], $0x3C00  }
0x6c: {  	s17 =	sand.u32 $0x380, s14;
	s16 =	sadd.s32 s12, s15;
	[sflag:s13] =	ssyncset.done $0x0  }
0x6d: {  	s18 =	sor.u32 s17, s16;
	[sflag:s13] =	ssyncadd.s32 $0xFFFFC400  }
0x6e: {  	v4 =	vld [tilespmem:s18+$0x5030]  }
0x6f: {  	v6 =	vld [tilespmem:s18+$0x5000]  }
0x70: {  	v7 =	vld [tilespmem:s18+$0x5020]  }
0x71: {  	v5 =	vld [tilespmem:s18+$0x5010]  }
0x72: {  	v3 =	vld [tilespmem:s18+$0x5040]  }
0x73: {  	[tilespmem:s18+$0xC830] =	vst v4;
	v4 =	vld [tilespmem:s18+$0x5070]  }
0x74: {  	[tilespmem:s18+$0xC800] =	vst v6;
	v6 =	vld [tilespmem:s18+$0x5060]  }
0x75: {  	s15 =	simm.s32 $0x1;
	[tilespmem:s18+$0xC820] =	vst v7;
	v7 =	vld [tilespmem:s18+$0x5050]  }
.LBB2_3:
0x76: {  	p0 =	sne.s32 s15, $0x27  }
0x77: {  	[tilespmem:s18+$0xC810] =	vst v5;
	s14 =	sadd.s32 $0x80, s14;
	s19 =	smov.u32 s15;
	s15 =	sadd.s32 $0x1, s15  }
0x78: {  	[tilespmem:s18+$0xC840] =	vst v3  }
0x79: {  	[tilespmem:s18+$0xC870] =	vst v4  }
0x7a: {  	[tilespmem:s18+$0xC860] =	vst v6  }
0x7b: {  	s20 =	sadd.s32 s17, s16;
	[tilespmem:s18+$0xC850] =	vst v7  }
0x7c: {  	v3 =	vld.msk [tilespmem:s20+$0x5820], $0xfff  }
0x7d: {  	v4 =	vld [tilespmem:s20+$0x5810]  }
0x7e: {  	v5 =	vld [tilespmem:s20+$0x5430]  }
0x7f: {  	v6 =	vld [tilespmem:s20+$0x5400]  }
0x80: {  	v7 =	vld [tilespmem:s20+$0x5800]  }
0x81: {  	v8 =	vld [tilespmem:s20+$0x5470];
	[tilespmem:s20+$0xD020] =	vst.msk $0xfff, v3  }
0x82: {  	v3 =	vld [tilespmem:s20+$0x5460];
	[tilespmem:s20+$0xD010] =	vst v4  }
0x83: {  	[tilespmem:s20+$0xCC30] =	vst v5;
	v4 =	vld [tilespmem:s20+$0x5450]  }
0x84: {  	s16 =	sshrl.u32 s19, $0x3;
	[tilespmem:s20+$0xCC00] =	vst v6;
	v5 =	vld [tilespmem:s20+$0x5440]  }
0x85: {  	s16 =	smul.u32 $0xC00, s16;
	v6 =	vld [tilespmem:s20+$0x5420];
	[tilespmem:s20+$0xD000] =	vst v7  }
0x86: {  	v7 =	vld [tilespmem:s20+$0x5410];
	[tilespmem:s20+$0xCC70] =	vst v8  }
0x87: {  	s17 =	sand.u32 $0x380, s14;
	s16 =	sadd.s32 s12, s16;
	[tilespmem:s20+$0xCC60] =	vst v3  }
0x88: {  	s18 =	sor.u32 s17, s16;
	[tilespmem:s20+$0xCC50] =	vst v4  }
0x89: {  	[tilespmem:s20+$0xCC40] =	vst v5  }
0x8a: {  	[tilespmem:s20+$0xCC20] =	vst v6  }
0x8b: {  	[tilespmem:s20+$0xCC10] =	vst v7  }
0x8c: {  	v4 =	vld [tilespmem:s18+$0x5030]  }
0x8d: {  	v6 =	vld [tilespmem:s18+$0x5000]  }
0x8e: {  	v7 =	vld [tilespmem:s18+$0x5020]  }
.Ltmp0:
0x8f: {  	v5 =	vld [tilespmem:s18+$0x5010];
	(pc) =	sbr.rel @p0 .LBB2_3-.Ltmp0, $4  }
0x90: {  	v3 =	vld [tilespmem:s18+$0x5040]  }
0x91: {  	[tilespmem:s18+$0xC830] =	vst v4;
	v4 =	vld [tilespmem:s18+$0x5070]  }
0x92: {  	[tilespmem:s18+$0xC800] =	vst v6;
	v6 =	vld [tilespmem:s18+$0x5060]  }
0x93: {  	[tilespmem:s18+$0xC820] =	vst v7;
	v7 =	vld [tilespmem:s18+$0x5050]  }
0x94: {  	[tilespmem:s18+$0xC810] =	vst v5  }
0x95: {  	[tilespmem:s18+$0xC840] =	vst v3  }
0x96: {  	[tilespmem:s18+$0xC870] =	vst v4  }
0x97: {  	[tilespmem:s18+$0xC860] =	vst v6  }
0x98: {  	s14 =	sadd.s32 s17, s16;
	[tilespmem:s18+$0xC850] =	vst v7  }
0x99: {  	v3 =	vld.msk [tilespmem:s14+$0x5820], $0xfff  }
0x9a: {  	v4 =	vld [tilespmem:s14+$0x5810]  }
0x9b: {  	v5 =	vld [tilespmem:s14+$0x5430]  }
0x9c: {  	v6 =	vld [tilespmem:s14+$0x5400]  }
0x9d: {  	v7 =	vld [tilespmem:s14+$0x5800]  }
0x9e: {  	v8 =	vld [tilespmem:s14+$0x5470];
	[tilespmem:s14+$0xD020] =	vst.msk $0xfff, v3  }
0x9f: {  	v60 =	vld [tilespmem:s14+$0x5450];
	[tilespmem:s14+$0xD010] =	vst v4  }
0xa0: {  	v61 =	vld [tilespmem:s14+$0x5440];
	[tilespmem:s14+$0xCC30] =	vst v5  }
0xa1: {  	v62 =	vld [tilespmem:s14+$0x5420];
	[tilespmem:s14+$0xCC00] =	vst v6  }
0xa2: {  	v63 =	vld [tilespmem:s14+$0x5410];
	[tilespmem:s14+$0xD000] =	vst v7  }
0xa3: {  	v3 =	vld [tilespmem:s14+$0x5460];
	[tilespmem:s14+$0xCC70] =	vst v8  }
0xa4: {  	[tilespmem:s14+$0xCC50] =	vst v60  }
0xa5: {  	[tilespmem:s14+$0xCC40] =	vst v61  }
0xa6: {  	p0 =	sgt.u32 s10, $0x9D;
	[tilespmem:s14+$0xCC20] =	vst v62  }
0xa7: {  	s15 =	sshll.u32 @!p0 s10, $0x7;
	[tilespmem:s14+$0xCC10] =	vst v63  }
0xa8: {  	[tilespmem:s14+$0xCC60] =	vst v3;
	s14 =	sand.u32 @!p0 $0x3FFFFF80, s15  }
0xa9: {  	v3 =	vld @!p0 [tilespmem:s14+$0x100];
	_ =	sdelay $0x4  }
0xaa: {  	v4 =	vshrl.u32 @!p0 v3, $0x3  }
0xab: {  	v4 =	vmul.u32 @!p0 $0x18, v4  }
0xac: {  	v5 =	vlaneseq.u32 @!p0;
	v3 =	vand.u32 @!p0 $0x7, v3  }
0xad: {  	v6 =	vshrl.u32 @!p0 v5, $0x3;
	v3 =	vor.u32 @!p0 v3, v4;
	v4 =	vand.u32 @!p0 $0x7, v5  }
0xae: {  	v6 =	vmul.u32 @!p0 $0x8, v6;
	v7 =	vperm.xlane @!p0 v3, v4;
	_ =	sdelay $0x1  }
0xaf: {  	v7 =	vadd.s32 @!p0 v6, v7  }
0xb0: {  	v5 =	vor.u32 @!p0 $0x8, v5  }
0xb1: {  	v3 =	vperm.xlane @!p0 v3, v5;
	_ =	sdelay $0x1  }
0xb2: {  	vm3 =	vmmov @!p0 $0xffff;
	s16 =	simm.s32 @!p0 $0x0;
	s15 =	sadd.s32 @!p0 $0x5000, s12;
	v3 =	vadd.s32 @!p0 v6, v3  }
0xb3: {  	[tilespmem:s15], [sflag:s13] =	stream.indirect_vreg.gather @!p0 [hbm4b:s3+s16], $0x80, v7, vm3, $0xb8;
	[tilespmem:$0x14000] =	vst v63  }
0xb4: {  	vm2 =	vmmov @!p0 $0xff;
	s15 =	sadd.s32 @!p0 $0x5800, s12  }
0xb5: {  	[tilespmem:s15], [sflag:s13] =	stream.indirect_vreg.gather @!p0 [hbm4b:s6+s16], $0x80, v7, vm2, $0xb8;
	[tilespmem:$0x14000] =	vst v63  }
0xb6: {  	s15 =	sadd.s32 @!p0 $0x5C00, s12  }
0xb7: {  	[tilespmem:s15], [sflag:s13] =	stream.indirect_vreg.gather @!p0 [hbm4b:s3+s16], $0x80, v3, vm3, $0xb8;
	[tilespmem:$0x14000] =	vst v63  }
0xb8: {  	s15 =	sadd.s32 @!p0 $0x6400, s12  }
0xb9: {  	[tilespmem:s15], [sflag:s13] =	stream.indirect_vreg.gather @!p0 [hbm4b:s6+s16], $0x80, v3, vm2, $0xb8;
	[tilespmem:$0x14000] =	vst v63  }
0xba: {  	v3 =	vld @!p0 [tilespmem:s14+$0x110];
	_ =	sdelay $0x4  }
0xbb: {  	v7 =	vshrl.u32 @!p0 v3, $0x3  }
0xbc: {  	v7 =	vmul.u32 @!p0 $0x18, v7  }
0xbd: {  	v3 =	vand.u32 @!p0 $0x7, v3  }
0xbe: {  	v3 =	vor.u32 @!p0 v3, v7  }
0xbf: {  	v7 =	vperm.xlane @!p0 v3, v4;
	_ =	sdelay $0x1  }
0xc0: {  	v7 =	vadd.s32 @!p0 v6, v7;
	_ =	sdelay $0x1  }
0xc1: {  	v3 =	vperm.xlane @!p0 v3, v5;
	_ =	sdelay $0x1  }
0xc2: {  	s15 =	sadd.s32 @!p0 $0x6800, s12;
	v3 =	vadd.s32 @!p0 v6, v3  }
0xc3: {  	[tilespmem:s15], [sflag:s13] =	stream.indirect_vreg.gather @!p0 [hbm4b:s3+s16], $0x80, v7, vm3, $0xb8;
	[tilespmem:$0x14000] =	vst v63  }
0xc4: {  	s15 =	sadd.s32 @!p0 $0x7000, s12  }
0xc5: {  	[tilespmem:s15], [sflag:s13] =	stream.indirect_vreg.gather @!p0 [hbm4b:s6+s16], $0x80, v7, vm2, $0xb8;
	[tilespmem:$0x14000] =	vst v63  }
0xc6: {  	s15 =	sadd.s32 @!p0 $0x7400, s12  }
0xc7: {  	[tilespmem:s15], [sflag:s13] =	stream.indirect_vreg.gather @!p0 [hbm4b:s3+s16], $0x80, v3, vm3, $0xb8;
	[tilespmem:$0x14000] =	vst v63  }
0xc8: {  	s15 =	sadd.s32 @!p0 $0x7C00, s12  }
0xc9: {  	[tilespmem:s15], [sflag:s13] =	stream.indirect_vreg.gather @!p0 [hbm4b:s6+s16], $0x80, v3, vm2, $0xb8;
	[tilespmem:$0x14000] =	vst v63  }
0xca: {  	v3 =	vld.msk @!p0 [tilespmem:s14+$0x120], $0xff;
	_ =	sdelay $0x4  }
0xcb: {  	v5 =	vshrl.u32 @!p0 v3, $0x3  }
0xcc: {  	v5 =	vmul.u32 @!p0 $0x18, v5  }
0xcd: {  	v3 =	vand.u32 @!p0 $0x7, v3  }
0xce: {  	v3 =	vor.u32 @!p0 v3, v5  }
0xcf: {  	v3 =	vperm.xlane @!p0 v3, v4  }
0xd0: {  	s17 =	smulhi.u32 $0xCCCCCCCD, s10  }
0xd1: {  	v3 =	vadd.s32 @!p0 v6, v3  }
0xd2: {  	s18 =	sshrl.u32 s17, $0x2  }
0xd3: {  	s15 =	smul.u32 $0x5, s18;
	_ =	sdelay $0x1  }
0xd4: {  	s17 =	sadd.s32 @!p0 $0x8800, s12;
	s14 =	sor.u32 @!p0 $0x8000, s12;
	s15 =	ssub.s32 s10, s15  }
0xd5: {  	[tilespmem:s14], [sflag:s13] =	stream.indirect_vreg.gather @!p0 [hbm4b:s3+s16], $0x80, v3, vm3, $0xb8;
	[tilespmem:$0x14000] =	vst v63  }
0xd6: {  	s10 =	sadd.s32 $0x1, s10;
	s15 =	smul.u32 $0x3C00, s15;
	s14 =	sadd.s32 s7, s18  }
0xd7: {  	[tilespmem:s17], [sflag:s13] =	stream.indirect_vreg.gather @!p0 [hbm4b:s6+s16], $0x80, v3, vm2, $0xb8;
	[tilespmem:$0x14000] =	vst v63  }
0xd8: {  	s14 =	smul.u32 $0x12C00, s14;
	p0 =	sne.s32 s10, $0xA0  }
.Ltmp1:
0xd9: {  	_ = 	snop;
	(pc) =	sbr.rel @p0 .LBB2_2-.Ltmp1, $4  }
0xda: {  	s19 =	sadd.s32 s15, s14  }
0xdb: {  	s13 =	sshrl.u32 s19, $0x3  }
0xdc: {  	s11 =	sadd.s32 $0x3, s11;
	s20 =	sadd.s32 $0xC800, s12;
	s13 =	sadd.s32 s4, s13  }
0xdd: {  	[hbm4b:s13+s2] =	stream.linear.scatter [tilespmem:s20], [sflag:s11], $0x3C00, $0x38;
	[tilespmem:$0x14000] =	vst v63  }
0xde: {  	s0 =	sadd.s32 $0x1, s0  }
0xdf: {  	_ =	swait.ge [sflag:s31], $0x3C00;
	p0 =	sne.s32 s0, s8  }
.Ltmp2:
0xe0: {  	[sflag:s31] =	ssyncset.done $0x0;
	(pc) =	sbr.rel @p0 .LBB2_1-.Ltmp2, $4  }
0xe1: {  	[sflag:s31] =	ssyncadd.s32 $0xFFFFC400  }
0xe2: {  	_ =	swait.ge [sflag:s1], $0x3C00  }
0xe3: {  	[sflag:s1] =	ssyncset.done $0x0  }
0xe4: {  	[sflag:s1] =	ssyncadd.s32 $0xFFFFC400  }
0xe5: {  	_ =	sfence.sel $0x180000  }
0xe6: {  	[bflag:$0x0] =	sbarrier.arrive $0xFFFF  }
0xe7: {  	_ =	strace $0x90000047  }
0xe8: {  	s0 =	stileid.u32;
	[bflag:$0x2] =	sbarrier.arrive $0xFFFF  }
0xe9: {  	p0 =	sne.s32 s0, $0x0;
	s0 =	rddreg [dreg:$0x1]  }
0xea: {  	s0 =	sadd.s32 @!p0 $0x100000, s0  }
0xeb: {  	[sflag:s0] =	ssyncadd.tile.s32 @!p0 $0x1;
	_ =	shalt  }
.Lfunc_end2:
_tile_overlayer_lowered:
.L_overlay_start_2:
0xec: {  	(tag) =	ssettag $0x2  }
0xed: {  	s0 =	rddreg [dreg:$0x0];
	s2 =	stileid.u32  }
0xee: {  	s1 =	rddreg [dreg:$0x1];
	p0 =	sne.s32 s2, $0x0  }
0xef: {  	s3 =	rddreg [dreg:$0x2];
	[bflag:$0x3] =	sbarrier.arrive $0xFFFF;
	s2 =	simm.s32 @!p0 $0x1C05  }
0xf0: {  	[timem:s3], [sflag:s2] =	dma.local @!p0 [hbm:s0], s1  }
0xf1: {  	s0 =	simm.s32 @!p0 $0x5  }
0xf2: {  	_ =	swait.ge @!p0 [sflag:s0], s1  }
0xf3: {  	s1 =	ssub.s32 @!p0 $0x0, s1;
	[sflag:s0] =	ssyncset.done @!p0 $0x0  }
0xf4: {  	[sflag:s0] =	ssyncadd.s32 @!p0 s1  }
0xf5: {  	[bflag:$0x3] =	sbarrier.arrive $0xFFFF  }
0xf6: {  	_ =	shalt  }

</sc_bundles>
